<compile_context>
chip_gen: v7x
topology: tpu7x:2x2x1
jax: 0.10.2.dev20260603
libtpu: 0.0.44.dev20260713+nightly
codegen_flags: <defaults>
</compile_context>

<pallas_src>
import functools

import jax
import jax.numpy as jnp
from jax import lax
from jax.experimental import pallas as pl
from jax.experimental.pallas import tpu as pltpu
from jax.experimental.pallas import tpu_sc as plsc

_C = 128
_B = 14


def _prep_body(h_ref, norm_ref, o_ref):
    o_ref[...] = h_ref[...] * norm_ref[...]


def _pack_body(src_ref, dst_ref, o_ref):
    o_ref[...] = jnp.bitwise_or(src_ref[...],
                                jnp.left_shift(dst_ref[...], _B))


def _main_body(h_ref, parts_ref, norm_ref, w1h_ref, w1a_ref, w2_ref, o_ref):
    agg = (parts_ref[0] + parts_ref[1]) * norm_ref[...]
    x = jnp.dot(h_ref[...], w1h_ref[...], preferred_element_type=jnp.float32)
    x = x + jnp.dot(agg, w1a_ref[...], preferred_element_type=jnp.float32)
    x = jnp.maximum(x, 0.0)
    s = jnp.maximum(jnp.sum(x * x, axis=1, keepdims=True), 1e-12)
    x = x * lax.rsqrt(s)
    y = jnp.dot(x, w2_ref[...], preferred_element_type=jnp.float32)
    o_ref[...] = jnp.maximum(y, 0.0)


@functools.partial(jax.jit, static_argnames=("nw", "nc", "k", "rows"))
def _sc_scatter(normh, packed_w, *, nw, nc, k, rows):
    d = normh.shape[1]
    ns = nw // nc
    zch = rows // (ns * _C)
    mask = jnp.int32((1 << _B) - 1)

    @functools.partial(
        pl.kernel,
        out_type=jax.ShapeDtypeStruct((nc, rows, d), jnp.float32),
        mesh=plsc.VectorSubcoreMesh(core_axis_name="c", subcore_axis_name="s"),
        scratch_types=[
            pltpu.VMEM((k, _C), jnp.int32),
            pltpu.VMEM((_C,), jnp.int32),
            pltpu.VMEM((_C,), jnp.int32),
            pltpu.VMEM((_C,), jnp.int32),
            pltpu.VMEM((_C, d), jnp.float32),
            pltpu.VMEM((_C, d), jnp.float32),
            pltpu.VMEM_SHARED((rows, d), jnp.float32),
            pltpu.SemaphoreType.DMA,
            pltpu.SemaphoreType.DMA,
        ],
    )
    def kfn(normh_hbm, packed_hbm, out_hbm, pk_v, s0_v, s1_v, dst_v,
            buf0, buf1, agg, sem0, sem1):
        cid = lax.axis_index("c")
        sid = lax.axis_index("s")
        wid = sid * nc + cid

        pltpu.sync_copy(packed_hbm.at[wid], pk_v)

        zero16 = jnp.zeros((16,), jnp.float32)

        def zrow(r, carry):
            for j in range(d // 16):
                buf0[r, pl.ds(j * 16, 16)] = zero16
            return carry

        lax.fori_loop(0, _C, zrow, 0)
        for j in range(zch):
            pltpu.sync_copy(buf0, agg.at[pl.ds((sid * zch + j) * _C, _C)])
        plsc.subcore_barrier()

        def unpack(row, idx_ref, shift):
            pk_row = pk_v.at[row]
            for j in range(_C // 16):
                p = pk_row[pl.ds(j * 16, 16)]
                if shift:
                    p = lax.shift_right_logical(p, _B)
                idx_ref[pl.ds(j * 16, 16)] = lax.bitwise_and(p, mask)

        def gather(idx_ref, buf, sem):
            return pltpu.async_copy(normh_hbm.at[idx_ref], buf, sem)

        def wait(idx_ref, buf, sem):
            pltpu.make_async_copy(normh_hbm.at[idx_ref], buf, sem).wait()

        unpack(0, s0_v, False)
        gather(s0_v, buf0, sem0)
        unpack(1, s1_v, False)
        gather(s1_v, buf1, sem1)

        def body(i, carry):
            c = 2 * i
            unpack(c, dst_v, True)
            wait(s0_v, buf0, sem0)
            pltpu.sync_copy(buf0, agg.at[dst_v], add=True)

            @pl.when(c + 2 < k)
            def _():
                unpack(c + 2, s0_v, False)
                gather(s0_v, buf0, sem0)

            unpack(c + 1, dst_v, True)
            wait(s1_v, buf1, sem1)
            pltpu.sync_copy(buf1, agg.at[dst_v], add=True)

            @pl.when(c + 3 < k)
            def _():
                unpack(c + 3, s1_v, False)
                gather(s1_v, buf1, sem1)

            return carry

        lax.fori_loop(0, k // 2, body, 0)
        plsc.subcore_barrier()

        for j in range(zch):
            r0 = (sid * zch + j) * _C
            pltpu.sync_copy(agg.at[pl.ds(r0, _C)], out_hbm.at[cid, pl.ds(r0, _C)])

    return kfn(normh, packed_w)


def kernel(h, edge_index, norm, W1, W2):
    n, d = h.shape
    e = edge_index.shape[1]
    info = plsc.get_sparse_core_info()
    nc, ns = info.num_cores, info.num_subcores
    nw = nc * ns

    bn = 2000
    grid = n // bn
    normh = pl.pallas_call(
        _prep_body,
        grid=(grid,),
        in_specs=[
            pl.BlockSpec((bn, d), lambda i: (i, 0)),
            pl.BlockSpec((bn, 1), lambda i: (i, 0)),
        ],
        out_specs=pl.BlockSpec((bn, d), lambda i: (i, 0)),
        out_shape=jax.ShapeDtypeStruct((n, d), jnp.float32),
    )(h, norm)

    per_w = -(-e // nw)
    k = -(-per_w // _C)
    k += k % 2
    cap = nw * k * _C
    rows = ns * _C * (-(-(n + 1) // (ns * _C)))
    pad_val = jnp.int32(n << _B)
    if e % _C == 0:
        er = e // _C
        packed = pl.pallas_call(
            _pack_body,
            in_specs=[
                pl.BlockSpec((er, _C), lambda: (0, 0)),
                pl.BlockSpec((er, _C), lambda: (0, 0)),
            ],
            out_specs=pl.BlockSpec((er, _C), lambda: (0, 0)),
            out_shape=jax.ShapeDtypeStruct((er, _C), jnp.int32),
        )(edge_index[0].reshape(er, _C), edge_index[1].reshape(er, _C))
        packed = packed.reshape(e)
    else:
        packed = jnp.bitwise_or(edge_index[0],
                                jnp.left_shift(edge_index[1], _B))
    packed = jnp.concatenate(
        [packed, jnp.full((cap - e,), pad_val, jnp.int32)])
    packed_w = packed.reshape(nw, k, _C)

    parts = _sc_scatter(normh, packed_w, nw=nw, nc=nc, k=k, rows=rows)

    df2 = W1.shape[0]
    out = pl.pallas_call(
        _main_body,
        grid=(grid,),
        in_specs=[
            pl.BlockSpec((bn, d), lambda i: (i, 0)),
            pl.BlockSpec((2, bn, d), lambda i: (0, i, 0)),
            pl.BlockSpec((bn, 1), lambda i: (i, 0)),
            pl.BlockSpec((d, W1.shape[1]), lambda i: (0, 0)),
            pl.BlockSpec((df2 - d, W1.shape[1]), lambda i: (0, 0)),
            pl.BlockSpec(W2.shape, lambda i: (0, 0)),
        ],
        out_specs=pl.BlockSpec((bn, W2.shape[1]), lambda i: (i, 0)),
        out_shape=jax.ShapeDtypeStruct((n, W2.shape[1]), jnp.float32),
    )(h, parts, norm, W1[:d], W1[d:], W2)
    return out

# --- scband reference (transcript-rebuilt; emitter-appended) ---
"""Pipeline reference for scband-gcnlayer-82188494176917 (READ-ONLY COPY).

The authoritative reference and input builder live on the scoring server;
editing this copy changes nothing except your own understanding.
"""

import jax, jax.numpy as jnp
import numpy as np

N = 10000
E = 320000
D_FEAT = 128      # node feature dim fed to forward (= 2 * in_feats)
IN_FEATS = 64     # module init arg: weight shape = (in_feats*4, out_feats) = (256, 128)
OUT_FEATS = 128


def setup_inputs(seed: int = 0) -> dict:
    key = jax.random.key(seed)
    k1, k2, k3, k4, k5 = jax.random.split(key, 5)
    h = jax.random.normal(k1, (N, D_FEAT), dtype=jnp.float32)
    edge_index = jax.random.randint(k2, (2, E), 0, N, dtype=jnp.int32)
    # DGL-style symmetric normalization coefficients, one scalar per node
    norm = jax.random.uniform(k3, (N, 1), dtype=jnp.float32, minval=0.05, maxval=1.0)
    # learned parameters per init_kwargs
    W1 = jax.random.normal(k4, (IN_FEATS * 4, OUT_FEATS), dtype=jnp.float32) * 0.05
    W2 = jax.random.normal(k5, (OUT_FEATS, OUT_FEATS), dtype=jnp.float32) * 0.05
    return {"h": h, "edge_index": edge_index, "norm": norm, "W1": W1, "W2": W2}


def reference(h, edge_index, norm, W1, W2):
    src = edge_index[0]
    dst = edge_index[1]
    n_nodes = h.shape[0]
    # g.ndata['norm_h'] = h * norm
    norm_h = h * norm
    # update_all(copy_src('norm_h','m'), sum('m','agg_h')): gather from src, scatter-add to dst
    messages = jnp.take(norm_h, src, axis=0)
    agg_h = jax.ops.segment_sum(messages, dst, num_segments=n_nodes)
    # agg_h = agg_h * norm
    agg_h = agg_h * norm
    # h = concat((h, agg_h), axis=1) -> [N, 2*D_FEAT] = [N, in_feats*4]
    x = jnp.concatenate([h, agg_h], axis=1)
    # h = activation(h @ weight)
    x = jax.nn.relu(jnp.matmul(x, W1))
    # tf.math.l2_normalize(h, axis=-1)
    sq = jnp.maximum(jnp.sum(x * x, axis=-1, keepdims=True), 1e-12)
    x = x * jax.lax.rsqrt(sq)
    # h = activation(h @ weight2)
    x = jax.nn.relu(jnp.matmul(x, W2))
    # dropout rate 0.0 -> no-op
    return x

if __name__ == "__main__":
    import jax
    _d = setup_inputs()
    print(jax.jit(kernel)(*tuple(_d.values())))

</pallas_src>

<mosaic_0001>
#map = affine_map<(d0, d1) -> (0, 0)>
#map1 = affine_map<(d0, d1) -> (0, 0, 0)>
#map2 = affine_map<(d0, d1) -> (0)>
module attributes {stable_mosaic.version = 14 : i64} {
  func.func @_rewritten_body(%arg0: i32, %arg1: i32, %arg2: memref<10000x128xf32, #tpu.memory_space<hbm>>, %arg3: memref<32x80x128xi32, #tpu.memory_space<hbm>>, %arg4: memref<1xi32, #tpu.memory_space<hbm>>, %arg5: memref<2x10240x128xf32, #tpu.memory_space<hbm>>, %arg6: memref<80x128xi32, #tpu.memory_space<vmem>>, %arg7: memref<128xi32, #tpu.memory_space<vmem>>, %arg8: memref<128xi32, #tpu.memory_space<vmem>>, %arg9: memref<128xi32, #tpu.memory_space<vmem>>, %arg10: memref<128x128xf32, #tpu.memory_space<vmem>>, %arg11: memref<128x128xf32, #tpu.memory_space<vmem>>, %arg12: memref<10240x128xf32, #tpu.memory_space<vmem_shared>>, %arg13: memref<!tpu.dma_semaphore, #tpu.memory_space<semaphore_mem>>, %arg14: memref<!tpu.dma_semaphore, #tpu.memory_space<semaphore_mem>>) attributes {dimension_semantics = [#tpu.dimension_semantics<core_parallel>, #tpu.dimension_semantics<subcore_parallel>], iteration_bounds = array<i64: 2, 16>, scalar_prefetch = 0 : i64, scratch_operands = 9 : i64, tpu.core_type = #tpu.core_type<sc_vector_subcore>, window_params = [{transform_indices = #map}, {transform_indices = #map1}, {transform_indices = #map2}, {transform_indices = #map1}]} {
    %empty_ref3A = memref.alloca() : memref<16xi32, #tpu.memory_space<vmem>>
    "tpu.region"() ({
      %run_scoped3A = tpu.sem_alloc : memref<!tpu.dma_semaphore, #tpu.memory_space<semaphore_mem>>
      %dma_start3A_287 = arith.constant 0 : i32
      %dma_start3A_288 = tpu.memref_slice %empty_ref3A[%dma_start3A_287] : memref<16xi32, #tpu.memory_space<vmem>> -> memref<1xi32, #tpu.memory_space<vmem>>
      %dma_start3A_289 = arith.constant 0 : i32
      %dma_start3A_290 = tpu.memref_slice %empty_ref3A[%dma_start3A_289] : memref<16xi32, #tpu.memory_space<vmem>> -> memref<1xi32, #tpu.memory_space<vmem>>
      tpu.enqueue_dma source(%arg4 : memref<1xi32, #tpu.memory_space<hbm>>) target(%dma_start3A_290 : memref<1xi32, #tpu.memory_space<vmem>>) target_semaphore(%run_scoped3A : memref<!tpu.dma_semaphore, #tpu.memory_space<semaphore_mem>>)
      %dma_wait3A = arith.constant 0 : i32
      %dma_wait3A_291 = tpu.memref_slice %empty_ref3A[%dma_wait3A] : memref<16xi32, #tpu.memory_space<vmem>> -> memref<1xi32, #tpu.memory_space<vmem>>
      %dma_wait3A_292 = arith.constant 0 : i32
      %dma_wait3A_293 = tpu.memref_slice %empty_ref3A[%dma_wait3A_292] : memref<16xi32, #tpu.memory_space<vmem>> -> memref<1xi32, #tpu.memory_space<vmem>>
      tpu.wait_dma2 semaphore(%run_scoped3A : memref<!tpu.dma_semaphore, #tpu.memory_space<semaphore_mem>>) src(%arg4 : memref<1xi32, #tpu.memory_space<hbm>>) dst(%dma_wait3A_293 : memref<1xi32, #tpu.memory_space<vmem>>)
      tpu.yield
    }) : () -> ()
    %get3A = arith.constant 0 : index
    %get3A_0 = tpu.vector_load %empty_ref3A[%get3A] {strides = array<i32>} : memref<16xi32, #tpu.memory_space<vmem>>, vector<16xi32>,
    %get3A_1 = vector.shape_cast %get3A_0 : vector<16xi32> to vector<16xi32>
    %slice3A = vector.extract_strided_slice %get3A_1 {offsets = [0], sizes = [1], strides = [1]} : vector<16xi32> to vector<1xi32>
    %squeeze3A = vector.extract %slice3A[0] : i32 from vector<1xi32>
    %mul3A = arith.constant 2 : i32
    %mul3A_2 = arith.muli %arg1, %mul3A : i32
    %add3A = arith.addi %mul3A_2, %arg0 : i32
    "tpu.region"() ({
      %run_scoped3A = tpu.sem_alloc : memref<!tpu.dma_semaphore, #tpu.memory_space<semaphore_mem>>
      %dma_start3A_287 = arith.constant 0 : i32
      %dma_start3A_288 = arith.constant 0 : i32
      %dma_start3A_289 = tpu.memref_slice %arg3[%add3A, %dma_start3A_287, %dma_start3A_288] : memref<32x80x128xi32, #tpu.memory_space<hbm>> -> memref<1x80x128xi32, #tpu.memory_space<hbm>>
      %dma_start3A_290 = tpu.memref_squeeze %dma_start3A_289 : memref<1x80x128xi32, #tpu.memory_space<hbm>> -> memref<80x128xi32, #tpu.memory_space<hbm>>
      %dma_start3A_291 = arith.constant 0 : i32
      %dma_start3A_292 = arith.constant 0 : i32
      %dma_start3A_293 = tpu.memref_slice %arg3[%add3A, %dma_start3A_291, %dma_start3A_292] : memref<32x80x128xi32, #tpu.memory_space<hbm>> -> memref<1x80x128xi32, #tpu.memory_space<hbm>>
      %dma_start3A_294 = tpu.memref_squeeze %dma_start3A_293 : memref<1x80x128xi32, #tpu.memory_space<hbm>> -> memref<80x128xi32, #tpu.memory_space<hbm>>
      tpu.enqueue_dma source(%dma_start3A_294 : memref<80x128xi32, #tpu.memory_space<hbm>>) target(%arg6 : memref<80x128xi32, #tpu.memory_space<vmem>>) target_semaphore(%run_scoped3A : memref<!tpu.dma_semaphore, #tpu.memory_space<semaphore_mem>>)
      %dma_wait3A = arith.constant 0 : i32
      %dma_wait3A_295 = arith.constant 0 : i32
      %dma_wait3A_296 = tpu.memref_slice %arg3[%add3A, %dma_wait3A, %dma_wait3A_295] : memref<32x80x128xi32, #tpu.memory_space<hbm>> -> memref<1x80x128xi32, #tpu.memory_space<hbm>>
      %dma_wait3A_297 = tpu.memref_squeeze %dma_wait3A_296 : memref<1x80x128xi32, #tpu.memory_space<hbm>> -> memref<80x128xi32, #tpu.memory_space<hbm>>
      %dma_wait3A_298 = arith.constant 0 : i32
      %dma_wait3A_299 = arith.constant 0 : i32
      %dma_wait3A_300 = tpu.memref_slice %arg3[%add3A, %dma_wait3A_298, %dma_wait3A_299] : memref<32x80x128xi32, #tpu.memory_space<hbm>> -> memref<1x80x128xi32, #tpu.memory_space<hbm>>
      %dma_wait3A_301 = tpu.memref_squeeze %dma_wait3A_300 : memref<1x80x128xi32, #tpu.memory_space<hbm>> -> memref<80x128xi32, #tpu.memory_space<hbm>>
      tpu.wait_dma2 semaphore(%run_scoped3A : memref<!tpu.dma_semaphore, #tpu.memory_space<semaphore_mem>>) src(%dma_wait3A_301 : memref<80x128xi32, #tpu.memory_space<hbm>>) dst(%arg6 : memref<80x128xi32, #tpu.memory_space<vmem>>)
      tpu.yield
    }) : () -> ()
    %broadcast_in_dim3A = arith.constant 0.000000e+00 : f32
    %broadcast_in_dim3A_3 = vector.broadcast %broadcast_in_dim3A : f32 to vector<16xf32>
    %scan3A = arith.constant 0 : i32
    %scan3A_4 = arith.constant 0 : i32
    %scan3A_5 = arith.constant 128 : i32
    %scan3A_6 = arith.addi %scan3A_4, %scan3A_5 : i32
    %scan3A_7 = arith.constant 1 : i32
    scf.for %scan3A_287 = %scan3A_4 to %scan3A_6 step %scan3A_7  : i32 {
      %swap3A_288 = arith.index_cast %scan3A_287 : i32 to index
      %swap3A_289 = arith.constant 0 : index
      %swap3A_290 = tpu.vector_load %arg10[%swap3A_288, %swap3A_289] {strides = array<i32>} : memref<128x128xf32, #tpu.memory_space<vmem>>, vector<1x16xf32>,
      %swap3A_291 = vector.shape_cast %swap3A_290 : vector<1x16xf32> to vector<16xf32>
      %swap3A_292 = vector.shape_cast %broadcast_in_dim3A_3 : vector<16xf32> to vector<1x16xf32>
      tpu.vector_store %arg10[%swap3A_288, %swap3A_289], %swap3A_292 {strides = array<i32>} : memref<128x128xf32, #tpu.memory_space<vmem>>, vector<1x16xf32>,
      %swap3A_293 = arith.index_cast %scan3A_287 : i32 to index
      %swap3A_294 = arith.constant 16 : index
      %swap3A_295 = tpu.vector_load %arg10[%swap3A_293, %swap3A_294] {strides = array<i32>} : memref<128x128xf32, #tpu.memory_space<vmem>>, vector<1x16xf32>,
      %swap3A_296 = vector.shape_cast %swap3A_295 : vector<1x16xf32> to vector<16xf32>
      %swap3A_297 = vector.shape_cast %broadcast_in_dim3A_3 : vector<16xf32> to vector<1x16xf32>
      tpu.vector_store %arg10[%swap3A_293, %swap3A_294], %swap3A_297 {strides = array<i32>} : memref<128x128xf32, #tpu.memory_space<vmem>>, vector<1x16xf32>,
      %swap3A_298 = arith.index_cast %scan3A_287 : i32 to index
      %swap3A_299 = arith.constant 32 : index
      %swap3A_300 = tpu.vector_load %arg10[%swap3A_298, %swap3A_299] {strides = array<i32>} : memref<128x128xf32, #tpu.memory_space<vmem>>, vector<1x16xf32>,
      %swap3A_301 = vector.shape_cast %swap3A_300 : vector<1x16xf32> to vector<16xf32>
      %swap3A_302 = vector.shape_cast %broadcast_in_dim3A_3 : vector<16xf32> to vector<1x16xf32>
      tpu.vector_store %arg10[%swap3A_298, %swap3A_299], %swap3A_302 {strides = array<i32>} : memref<128x128xf32, #tpu.memory_space<vmem>>, vector<1x16xf32>,
      %swap3A_303 = arith.index_cast %scan3A_287 : i32 to index
      %swap3A_304 = arith.constant 48 : index
      %swap3A_305 = tpu.vector_load %arg10[%swap3A_303, %swap3A_304] {strides = array<i32>} : memref<128x128xf32, #tpu.memory_space<vmem>>, vector<1x16xf32>,
      %swap3A_306 = vector.shape_cast %swap3A_305 : vector<1x16xf32> to vector<16xf32>
      %swap3A_307 = vector.shape_cast %broadcast_in_dim3A_3 : vector<16xf32> to vector<1x16xf32>
      tpu.vector_store %arg10[%swap3A_303, %swap3A_304], %swap3A_307 {strides = array<i32>} : memref<128x128xf32, #tpu.memory_space<vmem>>, vector<1x16xf32>,
      %swap3A_308 = arith.index_cast %scan3A_287 : i32 to index
      %swap3A_309 = arith.constant 64 : index
      %swap3A_310 = tpu.vector_load %arg10[%swap3A_308, %swap3A_309] {strides = array<i32>} : memref<128x128xf32, #tpu.memory_space<vmem>>, vector<1x16xf32>,
      %swap3A_311 = vector.shape_cast %swap3A_310 : vector<1x16xf32> to vector<16xf32>
      %swap3A_312 = vector.shape_cast %broadcast_in_dim3A_3 : vector<16xf32> to vector<1x16xf32>
      tpu.vector_store %arg10[%swap3A_308, %swap3A_309], %swap3A_312 {strides = array<i32>} : memref<128x128xf32, #tpu.memory_space<vmem>>, vector<1x16xf32>,
      %swap3A_313 = arith.index_cast %scan3A_287 : i32 to index
      %swap3A_314 = arith.constant 80 : index
      %swap3A_315 = tpu.vector_load %arg10[%swap3A_313, %swap3A_314] {strides = array<i32>} : memref<128x128xf32, #tpu.memory_space<vmem>>, vector<1x16xf32>,
      %swap3A_316 = vector.shape_cast %swap3A_315 : vector<1x16xf32> to vector<16xf32>
      %swap3A_317 = vector.shape_cast %broadcast_in_dim3A_3 : vector<16xf32> to vector<1x16xf32>
      tpu.vector_store %arg10[%swap3A_313, %swap3A_314], %swap3A_317 {strides = array<i32>} : memref<128x128xf32, #tpu.memory_space<vmem>>, vector<1x16xf32>,
      %swap3A_318 = arith.index_cast %scan3A_287 : i32 to index
      %swap3A_319 = arith.constant 96 : index
      %swap3A_320 = tpu.vector_load %arg10[%swap3A_318, %swap3A_319] {strides = array<i32>} : memref<128x128xf32, #tpu.memory_space<vmem>>, vector<1x16xf32>,
      %swap3A_321 = vector.shape_cast %swap3A_320 : vector<1x16xf32> to vector<16xf32>
      %swap3A_322 = vector.shape_cast %broadcast_in_dim3A_3 : vector<16xf32> to vector<1x16xf32>
      tpu.vector_store %arg10[%swap3A_318, %swap3A_319], %swap3A_322 {strides = array<i32>} : memref<128x128xf32, #tpu.memory_space<vmem>>, vector<1x16xf32>,
      %swap3A_323 = arith.index_cast %scan3A_287 : i32 to index
      %swap3A_324 = arith.constant 112 : index
      %swap3A_325 = tpu.vector_load %arg10[%swap3A_323, %swap3A_324] {strides = array<i32>} : memref<128x128xf32, #tpu.memory_space<vmem>>, vector<1x16xf32>,
      %swap3A_326 = vector.shape_cast %swap3A_325 : vector<1x16xf32> to vector<16xf32>
      %swap3A_327 = vector.shape_cast %broadcast_in_dim3A_3 : vector<16xf32> to vector<1x16xf32>
      tpu.vector_store %arg10[%swap3A_323, %swap3A_324], %swap3A_327 {strides = array<i32>} : memref<128x128xf32, #tpu.memory_space<vmem>>, vector<1x16xf32>,
    }
    %scan3A_8 = arith.constant 128 : i32
    %mul3A_9 = arith.constant 5 : i32
    %mul3A_10 = arith.muli %arg1, %mul3A_9 : i32
    %add3A_11 = arith.constant 0 : i32
    %add3A_12 = arith.addi %mul3A_10, %add3A_11 : i32
    %mul3A_13 = arith.constant 128 : i32
    %mul3A_14 = arith.muli %add3A_12, %mul3A_13 : i32
    "tpu.region"() ({
      %run_scoped3A = tpu.sem_alloc : memref<!tpu.dma_semaphore, #tpu.memory_space<semaphore_mem>>
      %dma_start3A_287 = arith.constant 0 : i32
      %dma_start3A_288 = tpu.memref_slice %arg12[%mul3A_14, %dma_start3A_287] : memref<10240x128xf32, #tpu.memory_space<vmem_shared>> -> memref<128x128xf32, #tpu.memory_space<vmem_shared>>
      %dma_start3A_289 = arith.constant 0 : i32
      %dma_start3A_290 = tpu.memref_slice %arg12[%mul3A_14, %dma_start3A_289] : memref<10240x128xf32, #tpu.memory_space<vmem_shared>> -> memref<128x128xf32, #tpu.memory_space<vmem_shared>>
      tpu.enqueue_dma source(%arg10 : memref<128x128xf32, #tpu.memory_space<vmem>>) target(%dma_start3A_290 : memref<128x128xf32, #tpu.memory_space<vmem_shared>>) target_semaphore(%run_scoped3A : memref<!tpu.dma_semaphore, #tpu.memory_space<semaphore_mem>>)
      %dma_wait3A = arith.constant 0 : i32
      %dma_wait3A_291 = tpu.memref_slice %arg12[%mul3A_14, %dma_wait3A] : memref<10240x128xf32, #tpu.memory_space<vmem_shared>> -> memref<128x128xf32, #tpu.memory_space<vmem_shared>>
      %dma_wait3A_292 = arith.constant 0 : i32
      %dma_wait3A_293 = tpu.memref_slice %arg12[%mul3A_14, %dma_wait3A_292] : memref<10240x128xf32, #tpu.memory_space<vmem_shared>> -> memref<128x128xf32, #tpu.memory_space<vmem_shared>>
      tpu.wait_dma2 semaphore(%run_scoped3A : memref<!tpu.dma_semaphore, #tpu.memory_space<semaphore_mem>>) src(%arg10 : memref<128x128xf32, #tpu.memory_space<vmem>>) dst(%dma_wait3A_293 : memref<128x128xf32, #tpu.memory_space<vmem_shared>>)
      tpu.yield
    }) : () -> ()
    %mul3A_15 = arith.constant 5 : i32
    %mul3A_16 = arith.muli %arg1, %mul3A_15 : i32
    %add3A_17 = arith.constant 1 : i32
    %add3A_18 = arith.addi %mul3A_16, %add3A_17 : i32
    %mul3A_19 = arith.constant 128 : i32
    %mul3A_20 = arith.muli %add3A_18, %mul3A_19 : i32
    "tpu.region"() ({
      %run_scoped3A = tpu.sem_alloc : memref<!tpu.dma_semaphore, #tpu.memory_space<semaphore_mem>>
      %dma_start3A_287 = arith.constant 0 : i32
      %dma_start3A_288 = tpu.memref_slice %arg12[%mul3A_20, %dma_start3A_287] : memref<10240x128xf32, #tpu.memory_space<vmem_shared>> -> memref<128x128xf32, #tpu.memory_space<vmem_shared>>
      %dma_start3A_289 = arith.constant 0 : i32
      %dma_start3A_290 = tpu.memref_slice %arg12[%mul3A_20, %dma_start3A_289] : memref<10240x128xf32, #tpu.memory_space<vmem_shared>> -> memref<128x128xf32, #tpu.memory_space<vmem_shared>>
      tpu.enqueue_dma source(%arg10 : memref<128x128xf32, #tpu.memory_space<vmem>>) target(%dma_start3A_290 : memref<128x128xf32, #tpu.memory_space<vmem_shared>>) target_semaphore(%run_scoped3A : memref<!tpu.dma_semaphore, #tpu.memory_space<semaphore_mem>>)
      %dma_wait3A = arith.constant 0 : i32
      %dma_wait3A_291 = tpu.memref_slice %arg12[%mul3A_20, %dma_wait3A] : memref<10240x128xf32, #tpu.memory_space<vmem_shared>> -> memref<128x128xf32, #tpu.memory_space<vmem_shared>>
      %dma_wait3A_292 = arith.constant 0 : i32
      %dma_wait3A_293 = tpu.memref_slice %arg12[%mul3A_20, %dma_wait3A_292] : memref<10240x128xf32, #tpu.memory_space<vmem_shared>> -> memref<128x128xf32, #tpu.memory_space<vmem_shared>>
      tpu.wait_dma2 semaphore(%run_scoped3A : memref<!tpu.dma_semaphore, #tpu.memory_space<semaphore_mem>>) src(%arg10 : memref<128x128xf32, #tpu.memory_space<vmem>>) dst(%dma_wait3A_293 : memref<128x128xf32, #tpu.memory_space<vmem_shared>>)
      tpu.yield
    }) : () -> ()
    %mul3A_21 = arith.constant 5 : i32
    %mul3A_22 = arith.muli %arg1, %mul3A_21 : i32
    %add3A_23 = arith.constant 2 : i32
    %add3A_24 = arith.addi %mul3A_22, %add3A_23 : i32
    %mul3A_25 = arith.constant 128 : i32
    %mul3A_26 = arith.muli %add3A_24, %mul3A_25 : i32
    "tpu.region"() ({
      %run_scoped3A = tpu.sem_alloc : memref<!tpu.dma_semaphore, #tpu.memory_space<semaphore_mem>>
      %dma_start3A_287 = arith.constant 0 : i32
      %dma_start3A_288 = tpu.memref_slice %arg12[%mul3A_26, %dma_start3A_287] : memref<10240x128xf32, #tpu.memory_space<vmem_shared>> -> memref<128x128xf32, #tpu.memory_space<vmem_shared>>
      %dma_start3A_289 = arith.constant 0 : i32
      %dma_start3A_290 = tpu.memref_slice %arg12[%mul3A_26, %dma_start3A_289] : memref<10240x128xf32, #tpu.memory_space<vmem_shared>> -> memref<128x128xf32, #tpu.memory_space<vmem_shared>>
      tpu.enqueue_dma source(%arg10 : memref<128x128xf32, #tpu.memory_space<vmem>>) target(%dma_start3A_290 : memref<128x128xf32, #tpu.memory_space<vmem_shared>>) target_semaphore(%run_scoped3A : memref<!tpu.dma_semaphore, #tpu.memory_space<semaphore_mem>>)
      %dma_wait3A = arith.constant 0 : i32
      %dma_wait3A_291 = tpu.memref_slice %arg12[%mul3A_26, %dma_wait3A] : memref<10240x128xf32, #tpu.memory_space<vmem_shared>> -> memref<128x128xf32, #tpu.memory_space<vmem_shared>>
      %dma_wait3A_292 = arith.constant 0 : i32
      %dma_wait3A_293 = tpu.memref_slice %arg12[%mul3A_26, %dma_wait3A_292] : memref<10240x128xf32, #tpu.memory_space<vmem_shared>> -> memref<128x128xf32, #tpu.memory_space<vmem_shared>>
      tpu.wait_dma2 semaphore(%run_scoped3A : memref<!tpu.dma_semaphore, #tpu.memory_space<semaphore_mem>>) src(%arg10 : memref<128x128xf32, #tpu.memory_space<vmem>>) dst(%dma_wait3A_293 : memref<128x128xf32, #tpu.memory_space<vmem_shared>>)
      tpu.yield
    }) : () -> ()
    %mul3A_27 = arith.constant 5 : i32
    %mul3A_28 = arith.muli %arg1, %mul3A_27 : i32
    %add3A_29 = arith.constant 3 : i32
    %add3A_30 = arith.addi %mul3A_28, %add3A_29 : i32
    %mul3A_31 = arith.constant 128 : i32
    %mul3A_32 = arith.muli %add3A_30, %mul3A_31 : i32
    "tpu.region"() ({
      %run_scoped3A = tpu.sem_alloc : memref<!tpu.dma_semaphore, #tpu.memory_space<semaphore_mem>>
      %dma_start3A_287 = arith.constant 0 : i32
      %dma_start3A_288 = tpu.memref_slice %arg12[%mul3A_32, %dma_start3A_287] : memref<10240x128xf32, #tpu.memory_space<vmem_shared>> -> memref<128x128xf32, #tpu.memory_space<vmem_shared>>
      %dma_start3A_289 = arith.constant 0 : i32
      %dma_start3A_290 = tpu.memref_slice %arg12[%mul3A_32, %dma_start3A_289] : memref<10240x128xf32, #tpu.memory_space<vmem_shared>> -> memref<128x128xf32, #tpu.memory_space<vmem_shared>>
      tpu.enqueue_dma source(%arg10 : memref<128x128xf32, #tpu.memory_space<vmem>>) target(%dma_start3A_290 : memref<128x128xf32, #tpu.memory_space<vmem_shared>>) target_semaphore(%run_scoped3A : memref<!tpu.dma_semaphore, #tpu.memory_space<semaphore_mem>>)
      %dma_wait3A = arith.constant 0 : i32
      %dma_wait3A_291 = tpu.memref_slice %arg12[%mul3A_32, %dma_wait3A] : memref<10240x128xf32, #tpu.memory_space<vmem_shared>> -> memref<128x128xf32, #tpu.memory_space<vmem_shared>>
      %dma_wait3A_292 = arith.constant 0 : i32
      %dma_wait3A_293 = tpu.memref_slice %arg12[%mul3A_32, %dma_wait3A_292] : memref<10240x128xf32, #tpu.memory_space<vmem_shared>> -> memref<128x128xf32, #tpu.memory_space<vmem_shared>>
      tpu.wait_dma2 semaphore(%run_scoped3A : memref<!tpu.dma_semaphore, #tpu.memory_space<semaphore_mem>>) src(%arg10 : memref<128x128xf32, #tpu.memory_space<vmem>>) dst(%dma_wait3A_293 : memref<128x128xf32, #tpu.memory_space<vmem_shared>>)
      tpu.yield
    }) : () -> ()
    %mul3A_33 = arith.constant 5 : i32
    %mul3A_34 = arith.muli %arg1, %mul3A_33 : i32
    %add3A_35 = arith.constant 4 : i32
    %add3A_36 = arith.addi %mul3A_34, %add3A_35 : i32
    %mul3A_37 = arith.constant 128 : i32
    %mul3A_38 = arith.muli %add3A_36, %mul3A_37 : i32
    "tpu.region"() ({
      %run_scoped3A = tpu.sem_alloc : memref<!tpu.dma_semaphore, #tpu.memory_space<semaphore_mem>>
      %dma_start3A_287 = arith.constant 0 : i32
      %dma_start3A_288 = tpu.memref_slice %arg12[%mul3A_38, %dma_start3A_287] : memref<10240x128xf32, #tpu.memory_space<vmem_shared>> -> memref<128x128xf32, #tpu.memory_space<vmem_shared>>
      %dma_start3A_289 = arith.constant 0 : i32
      %dma_start3A_290 = tpu.memref_slice %arg12[%mul3A_38, %dma_start3A_289] : memref<10240x128xf32, #tpu.memory_space<vmem_shared>> -> memref<128x128xf32, #tpu.memory_space<vmem_shared>>
      tpu.enqueue_dma source(%arg10 : memref<128x128xf32, #tpu.memory_space<vmem>>) target(%dma_start3A_290 : memref<128x128xf32, #tpu.memory_space<vmem_shared>>) target_semaphore(%run_scoped3A : memref<!tpu.dma_semaphore, #tpu.memory_space<semaphore_mem>>)
      %dma_wait3A = arith.constant 0 : i32
      %dma_wait3A_291 = tpu.memref_slice %arg12[%mul3A_38, %dma_wait3A] : memref<10240x128xf32, #tpu.memory_space<vmem_shared>> -> memref<128x128xf32, #tpu.memory_space<vmem_shared>>
      %dma_wait3A_292 = arith.constant 0 : i32
      %dma_wait3A_293 = tpu.memref_slice %arg12[%mul3A_38, %dma_wait3A_292] : memref<10240x128xf32, #tpu.memory_space<vmem_shared>> -> memref<128x128xf32, #tpu.memory_space<vmem_shared>>
      tpu.wait_dma2 semaphore(%run_scoped3A : memref<!tpu.dma_semaphore, #tpu.memory_space<semaphore_mem>>) src(%arg10 : memref<128x128xf32, #tpu.memory_space<vmem>>) dst(%dma_wait3A_293 : memref<128x128xf32, #tpu.memory_space<vmem_shared>>)
      tpu.yield
    }) : () -> ()
    %barrier3A = arith.constant 0 : index
    tpu.barrier barrier_id(%barrier3A)
    %get3A_39 = arith.constant 0 : i32
    %get3A_40 = arith.constant 0 : i32
    %get3A_41 = tpu.memref_slice %arg6[%get3A_39, %get3A_40] : memref<80x128xi32, #tpu.memory_space<vmem>> -> memref<1x128xi32, #tpu.memory_space<vmem>>
    %get3A_42 = tpu.memref_squeeze %get3A_41 : memref<1x128xi32, #tpu.memory_space<vmem>> -> memref<128xi32, #tpu.memory_space<vmem>>
    %get3A_43 = arith.constant 0 : index
    %get3A_44 = tpu.vector_load %get3A_42[%get3A_43] {strides = array<i32>} : memref<128xi32, #tpu.memory_space<vmem>>, vector<16xi32>,
    %get3A_45 = vector.shape_cast %get3A_44 : vector<16xi32> to vector<16xi32>
    %and3A = vector.broadcast %squeeze3A : i32 to vector<16xi32>
    %and3A_46 = arith.andi %get3A_45, %and3A : vector<16xi32>
    %swap3A = arith.constant 0 : index
    %swap3A_47 = tpu.vector_load %arg7[%swap3A] {strides = array<i32>} : memref<128xi32, #tpu.memory_space<vmem>>, vector<16xi32>,
    %swap3A_48 = vector.shape_cast %swap3A_47 : vector<16xi32> to vector<16xi32>
    %swap3A_49 = vector.shape_cast %and3A_46 : vector<16xi32> to vector<16xi32>
    tpu.vector_store %arg7[%swap3A], %swap3A_49 {strides = array<i32>} : memref<128xi32, #tpu.memory_space<vmem>>, vector<16xi32>,
    %get3A_50 = arith.constant 0 : i32
    %get3A_51 = arith.constant 0 : i32
    %get3A_52 = tpu.memref_slice %arg6[%get3A_50, %get3A_51] : memref<80x128xi32, #tpu.memory_space<vmem>> -> memref<1x128xi32, #tpu.memory_space<vmem>>
    %get3A_53 = tpu.memref_squeeze %get3A_52 : memref<1x128xi32, #tpu.memory_space<vmem>> -> memref<128xi32, #tpu.memory_space<vmem>>
    %get3A_54 = arith.constant 16 : index
    %get3A_55 = tpu.vector_load %get3A_53[%get3A_54] {strides = array<i32>} : memref<128xi32, #tpu.memory_space<vmem>>, vector<16xi32>,
    %get3A_56 = vector.shape_cast %get3A_55 : vector<16xi32> to vector<16xi32>
    %and3A_57 = vector.broadcast %squeeze3A : i32 to vector<16xi32>
    %and3A_58 = arith.andi %get3A_56, %and3A_57 : vector<16xi32>
    %swap3A_59 = arith.constant 16 : index
    %swap3A_60 = tpu.vector_load %arg7[%swap3A_59] {strides = array<i32>} : memref<128xi32, #tpu.memory_space<vmem>>, vector<16xi32>,
    %swap3A_61 = vector.shape_cast %swap3A_60 : vector<16xi32> to vector<16xi32>
    %swap3A_62 = vector.shape_cast %and3A_58 : vector<16xi32> to vector<16xi32>
    tpu.vector_store %arg7[%swap3A_59], %swap3A_62 {strides = array<i32>} : memref<128xi32, #tpu.memory_space<vmem>>, vector<16xi32>,
    %get3A_63 = arith.constant 0 : i32
    %get3A_64 = arith.constant 0 : i32
    %get3A_65 = tpu.memref_slice %arg6[%get3A_63, %get3A_64] : memref<80x128xi32, #tpu.memory_space<vmem>> -> memref<1x128xi32, #tpu.memory_space<vmem>>
    %get3A_66 = tpu.memref_squeeze %get3A_65 : memref<1x128xi32, #tpu.memory_space<vmem>> -> memref<128xi32, #tpu.memory_space<vmem>>
    %get3A_67 = arith.constant 32 : index
    %get3A_68 = tpu.vector_load %get3A_66[%get3A_67] {strides = array<i32>} : memref<128xi32, #tpu.memory_space<vmem>>, vector<16xi32>,
    %get3A_69 = vector.shape_cast %get3A_68 : vector<16xi32> to vector<16xi32>
    %and3A_70 = vector.broadcast %squeeze3A : i32 to vector<16xi32>
    %and3A_71 = arith.andi %get3A_69, %and3A_70 : vector<16xi32>
    %swap3A_72 = arith.constant 32 : index
    %swap3A_73 = tpu.vector_load %arg7[%swap3A_72] {strides = array<i32>} : memref<128xi32, #tpu.memory_space<vmem>>, vector<16xi32>,
    %swap3A_74 = vector.shape_cast %swap3A_73 : vector<16xi32> to vector<16xi32>
    %swap3A_75 = vector.shape_cast %and3A_71 : vector<16xi32> to vector<16xi32>
    tpu.vector_store %arg7[%swap3A_72], %swap3A_75 {strides = array<i32>} : memref<128xi32, #tpu.memory_space<vmem>>, vector<16xi32>,
    %get3A_76 = arith.constant 0 : i32
    %get3A_77 = arith.constant 0 : i32
    %get3A_78 = tpu.memref_slice %arg6[%get3A_76, %get3A_77] : memref<80x128xi32, #tpu.memory_space<vmem>> -> memref<1x128xi32, #tpu.memory_space<vmem>>
    %get3A_79 = tpu.memref_squeeze %get3A_78 : memref<1x128xi32, #tpu.memory_space<vmem>> -> memref<128xi32, #tpu.memory_space<vmem>>
    %get3A_80 = arith.constant 48 : index
    %get3A_81 = tpu.vector_load %get3A_79[%get3A_80] {strides = array<i32>} : memref<128xi32, #tpu.memory_space<vmem>>, vector<16xi32>,
    %get3A_82 = vector.shape_cast %get3A_81 : vector<16xi32> to vector<16xi32>
    %and3A_83 = vector.broadcast %squeeze3A : i32 to vector<16xi32>
    %and3A_84 = arith.andi %get3A_82, %and3A_83 : vector<16xi32>
    %swap3A_85 = arith.constant 48 : index
    %swap3A_86 = tpu.vector_load %arg7[%swap3A_85] {strides = array<i32>} : memref<128xi32, #tpu.memory_space<vmem>>, vector<16xi32>,
    %swap3A_87 = vector.shape_cast %swap3A_86 : vector<16xi32> to vector<16xi32>
    %swap3A_88 = vector.shape_cast %and3A_84 : vector<16xi32> to vector<16xi32>
    tpu.vector_store %arg7[%swap3A_85], %swap3A_88 {strides = array<i32>} : memref<128xi32, #tpu.memory_space<vmem>>, vector<16xi32>,
    %get3A_89 = arith.constant 0 : i32
    %get3A_90 = arith.constant 0 : i32
    %get3A_91 = tpu.memref_slice %arg6[%get3A_89, %get3A_90] : memref<80x128xi32, #tpu.memory_space<vmem>> -> memref<1x128xi32, #tpu.memory_space<vmem>>
    %get3A_92 = tpu.memref_squeeze %get3A_91 : memref<1x128xi32, #tpu.memory_space<vmem>> -> memref<128xi32, #tpu.memory_space<vmem>>
    %get3A_93 = arith.constant 64 : index
    %get3A_94 = tpu.vector_load %get3A_92[%get3A_93] {strides = array<i32>} : memref<128xi32, #tpu.memory_space<vmem>>, vector<16xi32>,
    %get3A_95 = vector.shape_cast %get3A_94 : vector<16xi32> to vector<16xi32>
    %and3A_96 = vector.broadcast %squeeze3A : i32 to vector<16xi32>
    %and3A_97 = arith.andi %get3A_95, %and3A_96 : vector<16xi32>
    %swap3A_98 = arith.constant 64 : index
    %swap3A_99 = tpu.vector_load %arg7[%swap3A_98] {strides = array<i32>} : memref<128xi32, #tpu.memory_space<vmem>>, vector<16xi32>,
    %swap3A_100 = vector.shape_cast %swap3A_99 : vector<16xi32> to vector<16xi32>
    %swap3A_101 = vector.shape_cast %and3A_97 : vector<16xi32> to vector<16xi32>
    tpu.vector_store %arg7[%swap3A_98], %swap3A_101 {strides = array<i32>} : memref<128xi32, #tpu.memory_space<vmem>>, vector<16xi32>,
    %get3A_102 = arith.constant 0 : i32
    %get3A_103 = arith.constant 0 : i32
    %get3A_104 = tpu.memref_slice %arg6[%get3A_102, %get3A_103] : memref<80x128xi32, #tpu.memory_space<vmem>> -> memref<1x128xi32, #tpu.memory_space<vmem>>
    %get3A_105 = tpu.memref_squeeze %get3A_104 : memref<1x128xi32, #tpu.memory_space<vmem>> -> memref<128xi32, #tpu.memory_space<vmem>>
    %get3A_106 = arith.constant 80 : index
    %get3A_107 = tpu.vector_load %get3A_105[%get3A_106] {strides = array<i32>} : memref<128xi32, #tpu.memory_space<vmem>>, vector<16xi32>,
    %get3A_108 = vector.shape_cast %get3A_107 : vector<16xi32> to vector<16xi32>
    %and3A_109 = vector.broadcast %squeeze3A : i32 to vector<16xi32>
    %and3A_110 = arith.andi %get3A_108, %and3A_109 : vector<16xi32>
    %swap3A_111 = arith.constant 80 : index
    %swap3A_112 = tpu.vector_load %arg7[%swap3A_111] {strides = array<i32>} : memref<128xi32, #tpu.memory_space<vmem>>, vector<16xi32>,
    %swap3A_113 = vector.shape_cast %swap3A_112 : vector<16xi32> to vector<16xi32>
    %swap3A_114 = vector.shape_cast %and3A_110 : vector<16xi32> to vector<16xi32>
    tpu.vector_store %arg7[%swap3A_111], %swap3A_114 {strides = array<i32>} : memref<128xi32, #tpu.memory_space<vmem>>, vector<16xi32>,
    %get3A_115 = arith.constant 0 : i32
    %get3A_116 = arith.constant 0 : i32
    %get3A_117 = tpu.memref_slice %arg6[%get3A_115, %get3A_116] : memref<80x128xi32, #tpu.memory_space<vmem>> -> memref<1x128xi32, #tpu.memory_space<vmem>>
    %get3A_118 = tpu.memref_squeeze %get3A_117 : memref<1x128xi32, #tpu.memory_space<vmem>> -> memref<128xi32, #tpu.memory_space<vmem>>
    %get3A_119 = arith.constant 96 : index
    %get3A_120 = tpu.vector_load %get3A_118[%get3A_119] {strides = array<i32>} : memref<128xi32, #tpu.memory_space<vmem>>, vector<16xi32>,
    %get3A_121 = vector.shape_cast %get3A_120 : vector<16xi32> to vector<16xi32>
    %and3A_122 = vector.broadcast %squeeze3A : i32 to vector<16xi32>
    %and3A_123 = arith.andi %get3A_121, %and3A_122 : vector<16xi32>
    %swap3A_124 = arith.constant 96 : index
    %swap3A_125 = tpu.vector_load %arg7[%swap3A_124] {strides = array<i32>} : memref<128xi32, #tpu.memory_space<vmem>>, vector<16xi32>,
    %swap3A_126 = vector.shape_cast %swap3A_125 : vector<16xi32> to vector<16xi32>
    %swap3A_127 = vector.shape_cast %and3A_123 : vector<16xi32> to vector<16xi32>
    tpu.vector_store %arg7[%swap3A_124], %swap3A_127 {strides = array<i32>} : memref<128xi32, #tpu.memory_space<vmem>>, vector<16xi32>,
    %get3A_128 = arith.constant 0 : i32
    %get3A_129 = arith.constant 0 : i32
    %get3A_130 = tpu.memref_slice %arg6[%get3A_128, %get3A_129] : memref<80x128xi32, #tpu.memory_space<vmem>> -> memref<1x128xi32, #tpu.memory_space<vmem>>
    %get3A_131 = tpu.memref_squeeze %get3A_130 : memref<1x128xi32, #tpu.memory_space<vmem>> -> memref<128xi32, #tpu.memory_space<vmem>>
    %get3A_132 = arith.constant 112 : index
    %get3A_133 = tpu.vector_load %get3A_131[%get3A_132] {strides = array<i32>} : memref<128xi32, #tpu.memory_space<vmem>>, vector<16xi32>,
    %get3A_134 = vector.shape_cast %get3A_133 : vector<16xi32> to vector<16xi32>
    %and3A_135 = vector.broadcast %squeeze3A : i32 to vector<16xi32>
    %and3A_136 = arith.andi %get3A_134, %and3A_135 : vector<16xi32>
    %swap3A_137 = arith.constant 112 : index
    %swap3A_138 = tpu.vector_load %arg7[%swap3A_137] {strides = array<i32>} : memref<128xi32, #tpu.memory_space<vmem>>, vector<16xi32>,
    %swap3A_139 = vector.shape_cast %swap3A_138 : vector<16xi32> to vector<16xi32>
    %swap3A_140 = vector.shape_cast %and3A_136 : vector<16xi32> to vector<16xi32>
    tpu.vector_store %arg7[%swap3A_137], %swap3A_140 {strides = array<i32>} : memref<128xi32, #tpu.memory_space<vmem>>, vector<16xi32>,
    %dma_start3A = arith.constant 0 : i32
    %dma_start3A_141 = arith.constant 0 : i32
    %dma_start3A_142 = tpu.memref_slice %arg2[%dma_start3A, %dma_start3A_141] : memref<10000x128xf32, #tpu.memory_space<hbm>> -> memref<10000x128xf32, #tpu.memory_space<hbm>>
    tpu.enqueue_indirect_dma source(%dma_start3A_142 : memref<10000x128xf32, #tpu.memory_space<hbm>>) target(%arg10 : memref<128x128xf32, #tpu.memory_space<vmem>>) offsets(%arg7 : memref<128xi32, #tpu.memory_space<vmem>>) semaphore(%arg13 : memref<!tpu.dma_semaphore, #tpu.memory_space<semaphore_mem>>)
    %get3A_143 = arith.constant 1 : i32
    %get3A_144 = arith.constant 0 : i32
    %get3A_145 = tpu.memref_slice %arg6[%get3A_143, %get3A_144] : memref<80x128xi32, #tpu.memory_space<vmem>> -> memref<1x128xi32, #tpu.memory_space<vmem>>
    %get3A_146 = tpu.memref_squeeze %get3A_145 : memref<1x128xi32, #tpu.memory_space<vmem>> -> memref<128xi32, #tpu.memory_space<vmem>>
    %get3A_147 = arith.constant 0 : index
    %get3A_148 = tpu.vector_load %get3A_146[%get3A_147] {strides = array<i32>} : memref<128xi32, #tpu.memory_space<vmem>>, vector<16xi32>,
    %get3A_149 = vector.shape_cast %get3A_148 : vector<16xi32> to vector<16xi32>
    %and3A_150 = vector.broadcast %squeeze3A : i32 to vector<16xi32>
    %and3A_151 = arith.andi %get3A_149, %and3A_150 : vector<16xi32>
    %swap3A_152 = arith.constant 0 : index
    %swap3A_153 = tpu.vector_load %arg8[%swap3A_152] {strides = array<i32>} : memref<128xi32, #tpu.memory_space<vmem>>, vector<16xi32>,
    %swap3A_154 = vector.shape_cast %swap3A_153 : vector<16xi32> to vector<16xi32>
    %swap3A_155 = vector.shape_cast %and3A_151 : vector<16xi32> to vector<16xi32>
    tpu.vector_store %arg8[%swap3A_152], %swap3A_155 {strides = array<i32>} : memref<128xi32, #tpu.memory_space<vmem>>, vector<16xi32>,
    %get3A_156 = arith.constant 1 : i32
    %get3A_157 = arith.constant 0 : i32
    %get3A_158 = tpu.memref_slice %arg6[%get3A_156, %get3A_157] : memref<80x128xi32, #tpu.memory_space<vmem>> -> memref<1x128xi32, #tpu.memory_space<vmem>>
    %get3A_159 = tpu.memref_squeeze %get3A_158 : memref<1x128xi32, #tpu.memory_space<vmem>> -> memref<128xi32, #tpu.memory_space<vmem>>
    %get3A_160 = arith.constant 16 : index
    %get3A_161 = tpu.vector_load %get3A_159[%get3A_160] {strides = array<i32>} : memref<128xi32, #tpu.memory_space<vmem>>, vector<16xi32>,
    %get3A_162 = vector.shape_cast %get3A_161 : vector<16xi32> to vector<16xi32>
    %and3A_163 = vector.broadcast %squeeze3A : i32 to vector<16xi32>
    %and3A_164 = arith.andi %get3A_162, %and3A_163 : vector<16xi32>
    %swap3A_165 = arith.constant 16 : index
    %swap3A_166 = tpu.vector_load %arg8[%swap3A_165] {strides = array<i32>} : memref<128xi32, #tpu.memory_space<vmem>>, vector<16xi32>,
    %swap3A_167 = vector.shape_cast %swap3A_166 : vector<16xi32> to vector<16xi32>
    %swap3A_168 = vector.shape_cast %and3A_164 : vector<16xi32> to vector<16xi32>
    tpu.vector_store %arg8[%swap3A_165], %swap3A_168 {strides = array<i32>} : memref<128xi32, #tpu.memory_space<vmem>>, vector<16xi32>,
    %get3A_169 = arith.constant 1 : i32
    %get3A_170 = arith.constant 0 : i32
    %get3A_171 = tpu.memref_slice %arg6[%get3A_169, %get3A_170] : memref<80x128xi32, #tpu.memory_space<vmem>> -> memref<1x128xi32, #tpu.memory_space<vmem>>
    %get3A_172 = tpu.memref_squeeze %get3A_171 : memref<1x128xi32, #tpu.memory_space<vmem>> -> memref<128xi32, #tpu.memory_space<vmem>>
    %get3A_173 = arith.constant 32 : index
    %get3A_174 = tpu.vector_load %get3A_172[%get3A_173] {strides = array<i32>} : memref<128xi32, #tpu.memory_space<vmem>>, vector<16xi32>,
    %get3A_175 = vector.shape_cast %get3A_174 : vector<16xi32> to vector<16xi32>
    %and3A_176 = vector.broadcast %squeeze3A : i32 to vector<16xi32>
    %and3A_177 = arith.andi %get3A_175, %and3A_176 : vector<16xi32>
    %swap3A_178 = arith.constant 32 : index
    %swap3A_179 = tpu.vector_load %arg8[%swap3A_178] {strides = array<i32>} : memref<128xi32, #tpu.memory_space<vmem>>, vector<16xi32>,
    %swap3A_180 = vector.shape_cast %swap3A_179 : vector<16xi32> to vector<16xi32>
    %swap3A_181 = vector.shape_cast %and3A_177 : vector<16xi32> to vector<16xi32>
    tpu.vector_store %arg8[%swap3A_178], %swap3A_181 {strides = array<i32>} : memref<128xi32, #tpu.memory_space<vmem>>, vector<16xi32>,
    %get3A_182 = arith.constant 1 : i32
    %get3A_183 = arith.constant 0 : i32
    %get3A_184 = tpu.memref_slice %arg6[%get3A_182, %get3A_183] : memref<80x128xi32, #tpu.memory_space<vmem>> -> memref<1x128xi32, #tpu.memory_space<vmem>>
    %get3A_185 = tpu.memref_squeeze %get3A_184 : memref<1x128xi32, #tpu.memory_space<vmem>> -> memref<128xi32, #tpu.memory_space<vmem>>
    %get3A_186 = arith.constant 48 : index
    %get3A_187 = tpu.vector_load %get3A_185[%get3A_186] {strides = array<i32>} : memref<128xi32, #tpu.memory_space<vmem>>, vector<16xi32>,
    %get3A_188 = vector.shape_cast %get3A_187 : vector<16xi32> to vector<16xi32>
    %and3A_189 = vector.broadcast %squeeze3A : i32 to vector<16xi32>
    %and3A_190 = arith.andi %get3A_188, %and3A_189 : vector<16xi32>
    %swap3A_191 = arith.constant 48 : index
    %swap3A_192 = tpu.vector_load %arg8[%swap3A_191] {strides = array<i32>} : memref<128xi32, #tpu.memory_space<vmem>>, vector<16xi32>,
    %swap3A_193 = vector.shape_cast %swap3A_192 : vector<16xi32> to vector<16xi32>
    %swap3A_194 = vector.shape_cast %and3A_190 : vector<16xi32> to vector<16xi32>
    tpu.vector_store %arg8[%swap3A_191], %swap3A_194 {strides = array<i32>} : memref<128xi32, #tpu.memory_space<vmem>>, vector<16xi32>,
    %get3A_195 = arith.constant 1 : i32
    %get3A_196 = arith.constant 0 : i32
    %get3A_197 = tpu.memref_slice %arg6[%get3A_195, %get3A_196] : memref<80x128xi32, #tpu.memory_space<vmem>> -> memref<1x128xi32, #tpu.memory_space<vmem>>
    %get3A_198 = tpu.memref_squeeze %get3A_197 : memref<1x128xi32, #tpu.memory_space<vmem>> -> memref<128xi32, #tpu.memory_space<vmem>>
    %get3A_199 = arith.constant 64 : index
    %get3A_200 = tpu.vector_load %get3A_198[%get3A_199] {strides = array<i32>} : memref<128xi32, #tpu.memory_space<vmem>>, vector<16xi32>,
    %get3A_201 = vector.shape_cast %get3A_200 : vector<16xi32> to vector<16xi32>
    %and3A_202 = vector.broadcast %squeeze3A : i32 to vector<16xi32>
    %and3A_203 = arith.andi %get3A_201, %and3A_202 : vector<16xi32>
    %swap3A_204 = arith.constant 64 : index
    %swap3A_205 = tpu.vector_load %arg8[%swap3A_204] {strides = array<i32>} : memref<128xi32, #tpu.memory_space<vmem>>, vector<16xi32>,
    %swap3A_206 = vector.shape_cast %swap3A_205 : vector<16xi32> to vector<16xi32>
    %swap3A_207 = vector.shape_cast %and3A_203 : vector<16xi32> to vector<16xi32>
    tpu.vector_store %arg8[%swap3A_204], %swap3A_207 {strides = array<i32>} : memref<128xi32, #tpu.memory_space<vmem>>, vector<16xi32>,
    %get3A_208 = arith.constant 1 : i32
    %get3A_209 = arith.constant 0 : i32
    %get3A_210 = tpu.memref_slice %arg6[%get3A_208, %get3A_209] : memref<80x128xi32, #tpu.memory_space<vmem>> -> memref<1x128xi32, #tpu.memory_space<vmem>>
    %get3A_211 = tpu.memref_squeeze %get3A_210 : memref<1x128xi32, #tpu.memory_space<vmem>> -> memref<128xi32, #tpu.memory_space<vmem>>
    %get3A_212 = arith.constant 80 : index
    %get3A_213 = tpu.vector_load %get3A_211[%get3A_212] {strides = array<i32>} : memref<128xi32, #tpu.memory_space<vmem>>, vector<16xi32>,
    %get3A_214 = vector.shape_cast %get3A_213 : vector<16xi32> to vector<16xi32>
    %and3A_215 = vector.broadcast %squeeze3A : i32 to vector<16xi32>
    %and3A_216 = arith.andi %get3A_214, %and3A_215 : vector<16xi32>
    %swap3A_217 = arith.constant 80 : index
    %swap3A_218 = tpu.vector_load %arg8[%swap3A_217] {strides = array<i32>} : memref<128xi32, #tpu.memory_space<vmem>>, vector<16xi32>,
    %swap3A_219 = vector.shape_cast %swap3A_218 : vector<16xi32> to vector<16xi32>
    %swap3A_220 = vector.shape_cast %and3A_216 : vector<16xi32> to vector<16xi32>
    tpu.vector_store %arg8[%swap3A_217], %swap3A_220 {strides = array<i32>} : memref<128xi32, #tpu.memory_space<vmem>>, vector<16xi32>,
    %get3A_221 = arith.constant 1 : i32
    %get3A_222 = arith.constant 0 : i32
    %get3A_223 = tpu.memref_slice %arg6[%get3A_221, %get3A_222] : memref<80x128xi32, #tpu.memory_space<vmem>> -> memref<1x128xi32, #tpu.memory_space<vmem>>
    %get3A_224 = tpu.memref_squeeze %get3A_223 : memref<1x128xi32, #tpu.memory_space<vmem>> -> memref<128xi32, #tpu.memory_space<vmem>>
    %get3A_225 = arith.constant 96 : index
    %get3A_226 = tpu.vector_load %get3A_224[%get3A_225] {strides = array<i32>} : memref<128xi32, #tpu.memory_space<vmem>>, vector<16xi32>,
    %get3A_227 = vector.shape_cast %get3A_226 : vector<16xi32> to vector<16xi32>
    %and3A_228 = vector.broadcast %squeeze3A : i32 to vector<16xi32>
    %and3A_229 = arith.andi %get3A_227, %and3A_228 : vector<16xi32>
    %swap3A_230 = arith.constant 96 : index
    %swap3A_231 = tpu.vector_load %arg8[%swap3A_230] {strides = array<i32>} : memref<128xi32, #tpu.memory_space<vmem>>, vector<16xi32>,
    %swap3A_232 = vector.shape_cast %swap3A_231 : vector<16xi32> to vector<16xi32>
    %swap3A_233 = vector.shape_cast %and3A_229 : vector<16xi32> to vector<16xi32>
    tpu.vector_store %arg8[%swap3A_230], %swap3A_233 {strides = array<i32>} : memref<128xi32, #tpu.memory_space<vmem>>, vector<16xi32>,
    %get3A_234 = arith.constant 1 : i32
    %get3A_235 = arith.constant 0 : i32
    %get3A_236 = tpu.memref_slice %arg6[%get3A_234, %get3A_235] : memref<80x128xi32, #tpu.memory_space<vmem>> -> memref<1x128xi32, #tpu.memory_space<vmem>>
    %get3A_237 = tpu.memref_squeeze %get3A_236 : memref<1x128xi32, #tpu.memory_space<vmem>> -> memref<128xi32, #tpu.memory_space<vmem>>
    %get3A_238 = arith.constant 112 : index
    %get3A_239 = tpu.vector_load %get3A_237[%get3A_238] {strides = array<i32>} : memref<128xi32, #tpu.memory_space<vmem>>, vector<16xi32>,
    %get3A_240 = vector.shape_cast %get3A_239 : vector<16xi32> to vector<16xi32>
    %and3A_241 = vector.broadcast %squeeze3A : i32 to vector<16xi32>
    %and3A_242 = arith.andi %get3A_240, %and3A_241 : vector<16xi32>
    %swap3A_243 = arith.constant 112 : index
    %swap3A_244 = tpu.vector_load %arg8[%swap3A_243] {strides = array<i32>} : memref<128xi32, #tpu.memory_space<vmem>>, vector<16xi32>,
    %swap3A_245 = vector.shape_cast %swap3A_244 : vector<16xi32> to vector<16xi32>
    %swap3A_246 = vector.shape_cast %and3A_242 : vector<16xi32> to vector<16xi32>
    tpu.vector_store %arg8[%swap3A_243], %swap3A_246 {strides = array<i32>} : memref<128xi32, #tpu.memory_space<vmem>>, vector<16xi32>,
    %dma_start3A_247 = arith.constant 0 : i32
    %dma_start3A_248 = arith.constant 0 : i32
    %dma_start3A_249 = tpu.memref_slice %arg2[%dma_start3A_247, %dma_start3A_248] : memref<10000x128xf32, #tpu.memory_space<hbm>> -> memref<10000x128xf32, #tpu.memory_space<hbm>>
    tpu.enqueue_indirect_dma source(%dma_start3A_249 : memref<10000x128xf32, #tpu.memory_space<hbm>>) target(%arg11 : memref<128x128xf32, #tpu.memory_space<vmem>>) offsets(%arg8 : memref<128xi32, #tpu.memory_space<vmem>>) semaphore(%arg14 : memref<!tpu.dma_semaphore, #tpu.memory_space<semaphore_mem>>)
    %scan3A_250 = arith.constant 0 : i32
    %scan3A_251 = arith.constant 0 : i32
    %scan3A_252 = arith.constant 40 : i32
    %scan3A_253 = arith.addi %scan3A_251, %scan3A_252 : i32
    %scan3A_254 = arith.constant 1 : i32
    scf.for %scan3A_287 = %scan3A_251 to %scan3A_253 step %scan3A_254  : i32 {
      %mul3A_288 = arith.constant 2 : i32
      %mul3A_289 = arith.muli %mul3A_288, %scan3A_287 : i32
      %get3A_290 = arith.constant 0 : i32
      %get3A_291 = tpu.memref_slice %arg6[%mul3A_289, %get3A_290] : memref<80x128xi32, #tpu.memory_space<vmem>> -> memref<1x128xi32, #tpu.memory_space<vmem>>
      %get3A_292 = tpu.memref_squeeze %get3A_291 : memref<1x128xi32, #tpu.memory_space<vmem>> -> memref<128xi32, #tpu.memory_space<vmem>>
      %get3A_293 = arith.constant 0 : index
      %get3A_294 = tpu.vector_load %get3A_292[%get3A_293] {strides = array<i32>} : memref<128xi32, #tpu.memory_space<vmem>>, vector<16xi32>,
      %get3A_295 = vector.shape_cast %get3A_294 : vector<16xi32> to vector<16xi32>
      %shift_right_logical3A = arith.constant 14 : i32
      %shift_right_logical3A_296 = vector.broadcast %shift_right_logical3A : i32 to vector<16xi32>
      %shift_right_logical3A_297 = arith.shrui %get3A_295, %shift_right_logical3A_296 : vector<16xi32>
      %and3A_298 = vector.broadcast %squeeze3A : i32 to vector<16xi32>
      %and3A_299 = arith.andi %shift_right_logical3A_297, %and3A_298 : vector<16xi32>
      %swap3A_300 = arith.constant 0 : index
      %swap3A_301 = tpu.vector_load %arg9[%swap3A_300] {strides = array<i32>} : memref<128xi32, #tpu.memory_space<vmem>>, vector<16xi32>,
      %swap3A_302 = vector.shape_cast %swap3A_301 : vector<16xi32> to vector<16xi32>
      %swap3A_303 = vector.shape_cast %and3A_299 : vector<16xi32> to vector<16xi32>
      tpu.vector_store %arg9[%swap3A_300], %swap3A_303 {strides = array<i32>} : memref<128xi32, #tpu.memory_space<vmem>>, vector<16xi32>,
      %get3A_304 = arith.constant 0 : i32
      %get3A_305 = tpu.memref_slice %arg6[%mul3A_289, %get3A_304] : memref<80x128xi32, #tpu.memory_space<vmem>> -> memref<1x128xi32, #tpu.memory_space<vmem>>
      %get3A_306 = tpu.memref_squeeze %get3A_305 : memref<1x128xi32, #tpu.memory_space<vmem>> -> memref<128xi32, #tpu.memory_space<vmem>>
      %get3A_307 = arith.constant 16 : index
      %get3A_308 = tpu.vector_load %get3A_306[%get3A_307] {strides = array<i32>} : memref<128xi32, #tpu.memory_space<vmem>>, vector<16xi32>,
      %get3A_309 = vector.shape_cast %get3A_308 : vector<16xi32> to vector<16xi32>
      %shift_right_logical3A_310 = arith.constant 14 : i32
      %shift_right_logical3A_311 = vector.broadcast %shift_right_logical3A_310 : i32 to vector<16xi32>
      %shift_right_logical3A_312 = arith.shrui %get3A_309, %shift_right_logical3A_311 : vector<16xi32>
      %and3A_313 = vector.broadcast %squeeze3A : i32 to vector<16xi32>
      %and3A_314 = arith.andi %shift_right_logical3A_312, %and3A_313 : vector<16xi32>
      %swap3A_315 = arith.constant 16 : index
      %swap3A_316 = tpu.vector_load %arg9[%swap3A_315] {strides = array<i32>} : memref<128xi32, #tpu.memory_space<vmem>>, vector<16xi32>,
      %swap3A_317 = vector.shape_cast %swap3A_316 : vector<16xi32> to vector<16xi32>
      %swap3A_318 = vector.shape_cast %and3A_314 : vector<16xi32> to vector<16xi32>
      tpu.vector_store %arg9[%swap3A_315], %swap3A_318 {strides = array<i32>} : memref<128xi32, #tpu.memory_space<vmem>>, vector<16xi32>,
      %get3A_319 = arith.constant 0 : i32
      %get3A_320 = tpu.memref_slice %arg6[%mul3A_289, %get3A_319] : memref<80x128xi32, #tpu.memory_space<vmem>> -> memref<1x128xi32, #tpu.memory_space<vmem>>
      %get3A_321 = tpu.memref_squeeze %get3A_320 : memref<1x128xi32, #tpu.memory_space<vmem>> -> memref<128xi32, #tpu.memory_space<vmem>>
      %get3A_322 = arith.constant 32 : index
      %get3A_323 = tpu.vector_load %get3A_321[%get3A_322] {strides = array<i32>} : memref<128xi32, #tpu.memory_space<vmem>>, vector<16xi32>,
      %get3A_324 = vector.shape_cast %get3A_323 : vector<16xi32> to vector<16xi32>
      %shift_right_logical3A_325 = arith.constant 14 : i32
      %shift_right_logical3A_326 = vector.broadcast %shift_right_logical3A_325 : i32 to vector<16xi32>
      %shift_right_logical3A_327 = arith.shrui %get3A_324, %shift_right_logical3A_326 : vector<16xi32>
      %and3A_328 = vector.broadcast %squeeze3A : i32 to vector<16xi32>
      %and3A_329 = arith.andi %shift_right_logical3A_327, %and3A_328 : vector<16xi32>
      %swap3A_330 = arith.constant 32 : index
      %swap3A_331 = tpu.vector_load %arg9[%swap3A_330] {strides = array<i32>} : memref<128xi32, #tpu.memory_space<vmem>>, vector<16xi32>,
      %swap3A_332 = vector.shape_cast %swap3A_331 : vector<16xi32> to vector<16xi32>
      %swap3A_333 = vector.shape_cast %and3A_329 : vector<16xi32> to vector<16xi32>
      tpu.vector_store %arg9[%swap3A_330], %swap3A_333 {strides = array<i32>} : memref<128xi32, #tpu.memory_space<vmem>>, vector<16xi32>,
      %get3A_334 = arith.constant 0 : i32
      %get3A_335 = tpu.memref_slice %arg6[%mul3A_289, %get3A_334] : memref<80x128xi32, #tpu.memory_space<vmem>> -> memref<1x128xi32, #tpu.memory_space<vmem>>
      %get3A_336 = tpu.memref_squeeze %get3A_335 : memref<1x128xi32, #tpu.memory_space<vmem>> -> memref<128xi32, #tpu.memory_space<vmem>>
      %get3A_337 = arith.constant 48 : index
      %get3A_338 = tpu.vector_load %get3A_336[%get3A_337] {strides = array<i32>} : memref<128xi32, #tpu.memory_space<vmem>>, vector<16xi32>,
      %get3A_339 = vector.shape_cast %get3A_338 : vector<16xi32> to vector<16xi32>
      %shift_right_logical3A_340 = arith.constant 14 : i32
      %shift_right_logical3A_341 = vector.broadcast %shift_right_logical3A_340 : i32 to vector<16xi32>
      %shift_right_logical3A_342 = arith.shrui %get3A_339, %shift_right_logical3A_341 : vector<16xi32>
      %and3A_343 = vector.broadcast %squeeze3A : i32 to vector<16xi32>
      %and3A_344 = arith.andi %shift_right_logical3A_342, %and3A_343 : vector<16xi32>
      %swap3A_345 = arith.constant 48 : index
      %swap3A_346 = tpu.vector_load %arg9[%swap3A_345] {strides = array<i32>} : memref<128xi32, #tpu.memory_space<vmem>>, vector<16xi32>,
      %swap3A_347 = vector.shape_cast %swap3A_346 : vector<16xi32> to vector<16xi32>
      %swap3A_348 = vector.shape_cast %and3A_344 : vector<16xi32> to vector<16xi32>
      tpu.vector_store %arg9[%swap3A_345], %swap3A_348 {strides = array<i32>} : memref<128xi32, #tpu.memory_space<vmem>>, vector<16xi32>,
      %get3A_349 = arith.constant 0 : i32
      %get3A_350 = tpu.memref_slice %arg6[%mul3A_289, %get3A_349] : memref<80x128xi32, #tpu.memory_space<vmem>> -> memref<1x128xi32, #tpu.memory_space<vmem>>
      %get3A_351 = tpu.memref_squeeze %get3A_350 : memref<1x128xi32, #tpu.memory_space<vmem>> -> memref<128xi32, #tpu.memory_space<vmem>>
      %get3A_352 = arith.constant 64 : index
      %get3A_353 = tpu.vector_load %get3A_351[%get3A_352] {strides = array<i32>} : memref<128xi32, #tpu.memory_space<vmem>>, vector<16xi32>,
      %get3A_354 = vector.shape_cast %get3A_353 : vector<16xi32> to vector<16xi32>
      %shift_right_logical3A_355 = arith.constant 14 : i32
      %shift_right_logical3A_356 = vector.broadcast %shift_right_logical3A_355 : i32 to vector<16xi32>
      %shift_right_logical3A_357 = arith.shrui %get3A_354, %shift_right_logical3A_356 : vector<16xi32>
      %and3A_358 = vector.broadcast %squeeze3A : i32 to vector<16xi32>
      %and3A_359 = arith.andi %shift_right_logical3A_357, %and3A_358 : vector<16xi32>
      %swap3A_360 = arith.constant 64 : index
      %swap3A_361 = tpu.vector_load %arg9[%swap3A_360] {strides = array<i32>} : memref<128xi32, #tpu.memory_space<vmem>>, vector<16xi32>,
      %swap3A_362 = vector.shape_cast %swap3A_361 : vector<16xi32> to vector<16xi32>
      %swap3A_363 = vector.shape_cast %and3A_359 : vector<16xi32> to vector<16xi32>
      tpu.vector_store %arg9[%swap3A_360], %swap3A_363 {strides = array<i32>} : memref<128xi32, #tpu.memory_space<vmem>>, vector<16xi32>,
      %get3A_364 = arith.constant 0 : i32
      %get3A_365 = tpu.memref_slice %arg6[%mul3A_289, %get3A_364] : memref<80x128xi32, #tpu.memory_space<vmem>> -> memref<1x128xi32, #tpu.memory_space<vmem>>
      %get3A_366 = tpu.memref_squeeze %get3A_365 : memref<1x128xi32, #tpu.memory_space<vmem>> -> memref<128xi32, #tpu.memory_space<vmem>>
      %get3A_367 = arith.constant 80 : index
      %get3A_368 = tpu.vector_load %get3A_366[%get3A_367] {strides = array<i32>} : memref<128xi32, #tpu.memory_space<vmem>>, vector<16xi32>,
      %get3A_369 = vector.shape_cast %get3A_368 : vector<16xi32> to vector<16xi32>
      %shift_right_logical3A_370 = arith.constant 14 : i32
      %shift_right_logical3A_371 = vector.broadcast %shift_right_logical3A_370 : i32 to vector<16xi32>
      %shift_right_logical3A_372 = arith.shrui %get3A_369, %shift_right_logical3A_371 : vector<16xi32>
      %and3A_373 = vector.broadcast %squeeze3A : i32 to vector<16xi32>
      %and3A_374 = arith.andi %shift_right_logical3A_372, %and3A_373 : vector<16xi32>
      %swap3A_375 = arith.constant 80 : index
      %swap3A_376 = tpu.vector_load %arg9[%swap3A_375] {strides = array<i32>} : memref<128xi32, #tpu.memory_space<vmem>>, vector<16xi32>,
      %swap3A_377 = vector.shape_cast %swap3A_376 : vector<16xi32> to vector<16xi32>
      %swap3A_378 = vector.shape_cast %and3A_374 : vector<16xi32> to vector<16xi32>
      tpu.vector_store %arg9[%swap3A_375], %swap3A_378 {strides = array<i32>} : memref<128xi32, #tpu.memory_space<vmem>>, vector<16xi32>,
      %get3A_379 = arith.constant 0 : i32
      %get3A_380 = tpu.memref_slice %arg6[%mul3A_289, %get3A_379] : memref<80x128xi32, #tpu.memory_space<vmem>> -> memref<1x128xi32, #tpu.memory_space<vmem>>
      %get3A_381 = tpu.memref_squeeze %get3A_380 : memref<1x128xi32, #tpu.memory_space<vmem>> -> memref<128xi32, #tpu.memory_space<vmem>>
      %get3A_382 = arith.constant 96 : index
      %get3A_383 = tpu.vector_load %get3A_381[%get3A_382] {strides = array<i32>} : memref<128xi32, #tpu.memory_space<vmem>>, vector<16xi32>,
      %get3A_384 = vector.shape_cast %get3A_383 : vector<16xi32> to vector<16xi32>
      %shift_right_logical3A_385 = arith.constant 14 : i32
      %shift_right_logical3A_386 = vector.broadcast %shift_right_logical3A_385 : i32 to vector<16xi32>
      %shift_right_logical3A_387 = arith.shrui %get3A_384, %shift_right_logical3A_386 : vector<16xi32>
      %and3A_388 = vector.broadcast %squeeze3A : i32 to vector<16xi32>
      %and3A_389 = arith.andi %shift_right_logical3A_387, %and3A_388 : vector<16xi32>
      %swap3A_390 = arith.constant 96 : index
      %swap3A_391 = tpu.vector_load %arg9[%swap3A_390] {strides = array<i32>} : memref<128xi32, #tpu.memory_space<vmem>>, vector<16xi32>,
      %swap3A_392 = vector.shape_cast %swap3A_391 : vector<16xi32> to vector<16xi32>
      %swap3A_393 = vector.shape_cast %and3A_389 : vector<16xi32> to vector<16xi32>
      tpu.vector_store %arg9[%swap3A_390], %swap3A_393 {strides = array<i32>} : memref<128xi32, #tpu.memory_space<vmem>>, vector<16xi32>,
      %get3A_394 = arith.constant 0 : i32
      %get3A_395 = tpu.memref_slice %arg6[%mul3A_289, %get3A_394] : memref<80x128xi32, #tpu.memory_space<vmem>> -> memref<1x128xi32, #tpu.memory_space<vmem>>
      %get3A_396 = tpu.memref_squeeze %get3A_395 : memref<1x128xi32, #tpu.memory_space<vmem>> -> memref<128xi32, #tpu.memory_space<vmem>>
      %get3A_397 = arith.constant 112 : index
      %get3A_398 = tpu.vector_load %get3A_396[%get3A_397] {strides = array<i32>} : memref<128xi32, #tpu.memory_space<vmem>>, vector<16xi32>,
      %get3A_399 = vector.shape_cast %get3A_398 : vector<16xi32> to vector<16xi32>
      %shift_right_logical3A_400 = arith.constant 14 : i32
      %shift_right_logical3A_401 = vector.broadcast %shift_right_logical3A_400 : i32 to vector<16xi32>
      %shift_right_logical3A_402 = arith.shrui %get3A_399, %shift_right_logical3A_401 : vector<16xi32>
      %and3A_403 = vector.broadcast %squeeze3A : i32 to vector<16xi32>
      %and3A_404 = arith.andi %shift_right_logical3A_402, %and3A_403 : vector<16xi32>
      %swap3A_405 = arith.constant 112 : index
      %swap3A_406 = tpu.vector_load %arg9[%swap3A_405] {strides = array<i32>} : memref<128xi32, #tpu.memory_space<vmem>>, vector<16xi32>,
      %swap3A_407 = vector.shape_cast %swap3A_406 : vector<16xi32> to vector<16xi32>
      %swap3A_408 = vector.shape_cast %and3A_404 : vector<16xi32> to vector<16xi32>
      tpu.vector_store %arg9[%swap3A_405], %swap3A_408 {strides = array<i32>} : memref<128xi32, #tpu.memory_space<vmem>>, vector<16xi32>,
      %dma_wait3A = arith.constant 0 : i32
      %dma_wait3A_409 = arith.constant 0 : i32
      %dma_wait3A_410 = tpu.memref_slice %arg2[%dma_wait3A, %dma_wait3A_409] : memref<10000x128xf32, #tpu.memory_space<hbm>> -> memref<10000x128xf32, #tpu.memory_space<hbm>>
      tpu.wait_indirect_dma semaphore(%arg13 : memref<!tpu.dma_semaphore, #tpu.memory_space<semaphore_mem>>) src(%dma_wait3A_410 : memref<10000x128xf32, #tpu.memory_space<hbm>>) dst(%arg10 : memref<128x128xf32, #tpu.memory_space<vmem>>)
      "tpu.region"() ({
        %run_scoped3A = tpu.sem_alloc : memref<!tpu.dma_semaphore, #tpu.memory_space<semaphore_mem>>
        %dma_start3A_547 = arith.constant 0 : i32
        %dma_start3A_548 = arith.constant 0 : i32
        %dma_start3A_549 = tpu.memref_slice %arg12[%dma_start3A_547, %dma_start3A_548] : memref<10240x128xf32, #tpu.memory_space<vmem_shared>> -> memref<10240x128xf32, #tpu.memory_space<vmem_shared>>
        tpu.enqueue_indirect_dma source(%arg10 : memref<128x128xf32, #tpu.memory_space<vmem>>) target(%dma_start3A_549 : memref<10240x128xf32, #tpu.memory_space<vmem_shared>>) offsets(%arg9 : memref<128xi32, #tpu.memory_space<vmem>>) semaphore(%run_scoped3A : memref<!tpu.dma_semaphore, #tpu.memory_space<semaphore_mem>>) {add = true}
        %dma_wait3A_550 = arith.constant 0 : i32
        %dma_wait3A_551 = arith.constant 0 : i32
        %dma_wait3A_552 = tpu.memref_slice %arg12[%dma_wait3A_550, %dma_wait3A_551] : memref<10240x128xf32, #tpu.memory_space<vmem_shared>> -> memref<10240x128xf32, #tpu.memory_space<vmem_shared>>
        tpu.wait_indirect_dma semaphore(%run_scoped3A : memref<!tpu.dma_semaphore, #tpu.memory_space<semaphore_mem>>) src(%arg10 : memref<128x128xf32, #tpu.memory_space<vmem>>) dst(%dma_wait3A_552 : memref<10240x128xf32, #tpu.memory_space<vmem_shared>>)
        tpu.yield
      }) : () -> ()
      %add3A_411 = arith.constant 2 : i32
      %add3A_412 = arith.addi %mul3A_289, %add3A_411 : i32
      %lt3A = arith.constant 80 : i32
      %lt3A_413 = arith.cmpi slt, %add3A_412, %lt3A : i32
      %convert_element_type3A = arith.extui %lt3A_413 : i1 to i32
      %cond3A = arith.constant 0 : i32
      %cond3A_414 = arith.cmpi ne, %convert_element_type3A, %cond3A : i32
      scf.if %cond3A_414 {
        %add3A_547 = arith.constant 2 : i32
        %add3A_548 = arith.addi %mul3A_289, %add3A_547 : i32
        %get3A_549 = arith.constant 0 : i32
        %get3A_550 = tpu.memref_slice %arg6[%add3A_548, %get3A_549] : memref<80x128xi32, #tpu.memory_space<vmem>> -> memref<1x128xi32, #tpu.memory_space<vmem>>
        %get3A_551 = tpu.memref_squeeze %get3A_550 : memref<1x128xi32, #tpu.memory_space<vmem>> -> memref<128xi32, #tpu.memory_space<vmem>>
        %get3A_552 = arith.constant 0 : index
        %get3A_553 = tpu.vector_load %get3A_551[%get3A_552] {strides = array<i32>} : memref<128xi32, #tpu.memory_space<vmem>>, vector<16xi32>,
        %get3A_554 = vector.shape_cast %get3A_553 : vector<16xi32> to vector<16xi32>
        %and3A_555 = vector.broadcast %squeeze3A : i32 to vector<16xi32>
        %and3A_556 = arith.andi %get3A_554, %and3A_555 : vector<16xi32>
        %swap3A_557 = arith.constant 0 : index
        %swap3A_558 = tpu.vector_load %arg7[%swap3A_557] {strides = array<i32>} : memref<128xi32, #tpu.memory_space<vmem>>, vector<16xi32>,
        %swap3A_559 = vector.shape_cast %swap3A_558 : vector<16xi32> to vector<16xi32>
        %swap3A_560 = vector.shape_cast %and3A_556 : vector<16xi32> to vector<16xi32>
        tpu.vector_store %arg7[%swap3A_557], %swap3A_560 {strides = array<i32>} : memref<128xi32, #tpu.memory_space<vmem>>, vector<16xi32>,
        %get3A_561 = arith.constant 0 : i32
        %get3A_562 = tpu.memref_slice %arg6[%add3A_548, %get3A_561] : memref<80x128xi32, #tpu.memory_space<vmem>> -> memref<1x128xi32, #tpu.memory_space<vmem>>
        %get3A_563 = tpu.memref_squeeze %get3A_562 : memref<1x128xi32, #tpu.memory_space<vmem>> -> memref<128xi32, #tpu.memory_space<vmem>>
        %get3A_564 = arith.constant 16 : index
        %get3A_565 = tpu.vector_load %get3A_563[%get3A_564] {strides = array<i32>} : memref<128xi32, #tpu.memory_space<vmem>>, vector<16xi32>,
        %get3A_566 = vector.shape_cast %get3A_565 : vector<16xi32> to vector<16xi32>
        %and3A_567 = vector.broadcast %squeeze3A : i32 to vector<16xi32>
        %and3A_568 = arith.andi %get3A_566, %and3A_567 : vector<16xi32>
        %swap3A_569 = arith.constant 16 : index
        %swap3A_570 = tpu.vector_load %arg7[%swap3A_569] {strides = array<i32>} : memref<128xi32, #tpu.memory_space<vmem>>, vector<16xi32>,
        %swap3A_571 = vector.shape_cast %swap3A_570 : vector<16xi32> to vector<16xi32>
        %swap3A_572 = vector.shape_cast %and3A_568 : vector<16xi32> to vector<16xi32>
        tpu.vector_store %arg7[%swap3A_569], %swap3A_572 {strides = array<i32>} : memref<128xi32, #tpu.memory_space<vmem>>, vector<16xi32>,
        %get3A_573 = arith.constant 0 : i32
        %get3A_574 = tpu.memref_slice %arg6[%add3A_548, %get3A_573] : memref<80x128xi32, #tpu.memory_space<vmem>> -> memref<1x128xi32, #tpu.memory_space<vmem>>
        %get3A_575 = tpu.memref_squeeze %get3A_574 : memref<1x128xi32, #tpu.memory_space<vmem>> -> memref<128xi32, #tpu.memory_space<vmem>>
        %get3A_576 = arith.constant 32 : index
        %get3A_577 = tpu.vector_load %get3A_575[%get3A_576] {strides = array<i32>} : memref<128xi32, #tpu.memory_space<vmem>>, vector<16xi32>,
        %get3A_578 = vector.shape_cast %get3A_577 : vector<16xi32> to vector<16xi32>
        %and3A_579 = vector.broadcast %squeeze3A : i32 to vector<16xi32>
        %and3A_580 = arith.andi %get3A_578, %and3A_579 : vector<16xi32>
        %swap3A_581 = arith.constant 32 : index
        %swap3A_582 = tpu.vector_load %arg7[%swap3A_581] {strides = array<i32>} : memref<128xi32, #tpu.memory_space<vmem>>, vector<16xi32>,
        %swap3A_583 = vector.shape_cast %swap3A_582 : vector<16xi32> to vector<16xi32>
        %swap3A_584 = vector.shape_cast %and3A_580 : vector<16xi32> to vector<16xi32>
        tpu.vector_store %arg7[%swap3A_581], %swap3A_584 {strides = array<i32>} : memref<128xi32, #tpu.memory_space<vmem>>, vector<16xi32>,
        %get3A_585 = arith.constant 0 : i32
        %get3A_586 = tpu.memref_slice %arg6[%add3A_548, %get3A_585] : memref<80x128xi32, #tpu.memory_space<vmem>> -> memref<1x128xi32, #tpu.memory_space<vmem>>
        %get3A_587 = tpu.memref_squeeze %get3A_586 : memref<1x128xi32, #tpu.memory_space<vmem>> -> memref<128xi32, #tpu.memory_space<vmem>>
        %get3A_588 = arith.constant 48 : index
        %get3A_589 = tpu.vector_load %get3A_587[%get3A_588] {strides = array<i32>} : memref<128xi32, #tpu.memory_space<vmem>>, vector<16xi32>,
        %get3A_590 = vector.shape_cast %get3A_589 : vector<16xi32> to vector<16xi32>
        %and3A_591 = vector.broadcast %squeeze3A : i32 to vector<16xi32>
        %and3A_592 = arith.andi %get3A_590, %and3A_591 : vector<16xi32>
        %swap3A_593 = arith.constant 48 : index
        %swap3A_594 = tpu.vector_load %arg7[%swap3A_593] {strides = array<i32>} : memref<128xi32, #tpu.memory_space<vmem>>, vector<16xi32>,
        %swap3A_595 = vector.shape_cast %swap3A_594 : vector<16xi32> to vector<16xi32>
        %swap3A_596 = vector.shape_cast %and3A_592 : vector<16xi32> to vector<16xi32>
        tpu.vector_store %arg7[%swap3A_593], %swap3A_596 {strides = array<i32>} : memref<128xi32, #tpu.memory_space<vmem>>, vector<16xi32>,
        %get3A_597 = arith.constant 0 : i32
        %get3A_598 = tpu.memref_slice %arg6[%add3A_548, %get3A_597] : memref<80x128xi32, #tpu.memory_space<vmem>> -> memref<1x128xi32, #tpu.memory_space<vmem>>
        %get3A_599 = tpu.memref_squeeze %get3A_598 : memref<1x128xi32, #tpu.memory_space<vmem>> -> memref<128xi32, #tpu.memory_space<vmem>>
        %get3A_600 = arith.constant 64 : index
        %get3A_601 = tpu.vector_load %get3A_599[%get3A_600] {strides = array<i32>} : memref<128xi32, #tpu.memory_space<vmem>>, vector<16xi32>,
        %get3A_602 = vector.shape_cast %get3A_601 : vector<16xi32> to vector<16xi32>
        %and3A_603 = vector.broadcast %squeeze3A : i32 to vector<16xi32>
        %and3A_604 = arith.andi %get3A_602, %and3A_603 : vector<16xi32>
        %swap3A_605 = arith.constant 64 : index
        %swap3A_606 = tpu.vector_load %arg7[%swap3A_605] {strides = array<i32>} : memref<128xi32, #tpu.memory_space<vmem>>, vector<16xi32>,
        %swap3A_607 = vector.shape_cast %swap3A_606 : vector<16xi32> to vector<16xi32>
        %swap3A_608 = vector.shape_cast %and3A_604 : vector<16xi32> to vector<16xi32>
        tpu.vector_store %arg7[%swap3A_605], %swap3A_608 {strides = array<i32>} : memref<128xi32, #tpu.memory_space<vmem>>, vector<16xi32>,
        %get3A_609 = arith.constant 0 : i32
        %get3A_610 = tpu.memref_slice %arg6[%add3A_548, %get3A_609] : memref<80x128xi32, #tpu.memory_space<vmem>> -> memref<1x128xi32, #tpu.memory_space<vmem>>
        %get3A_611 = tpu.memref_squeeze %get3A_610 : memref<1x128xi32, #tpu.memory_space<vmem>> -> memref<128xi32, #tpu.memory_space<vmem>>
        %get3A_612 = arith.constant 80 : index
        %get3A_613 = tpu.vector_load %get3A_611[%get3A_612] {strides = array<i32>} : memref<128xi32, #tpu.memory_space<vmem>>, vector<16xi32>,
        %get3A_614 = vector.shape_cast %get3A_613 : vector<16xi32> to vector<16xi32>
        %and3A_615 = vector.broadcast %squeeze3A : i32 to vector<16xi32>
        %and3A_616 = arith.andi %get3A_614, %and3A_615 : vector<16xi32>
        %swap3A_617 = arith.constant 80 : index
        %swap3A_618 = tpu.vector_load %arg7[%swap3A_617] {strides = array<i32>} : memref<128xi32, #tpu.memory_space<vmem>>, vector<16xi32>,
        %swap3A_619 = vector.shape_cast %swap3A_618 : vector<16xi32> to vector<16xi32>
        %swap3A_620 = vector.shape_cast %and3A_616 : vector<16xi32> to vector<16xi32>
        tpu.vector_store %arg7[%swap3A_617], %swap3A_620 {strides = array<i32>} : memref<128xi32, #tpu.memory_space<vmem>>, vector<16xi32>,
        %get3A_621 = arith.constant 0 : i32
        %get3A_622 = tpu.memref_slice %arg6[%add3A_548, %get3A_621] : memref<80x128xi32, #tpu.memory_space<vmem>> -> memref<1x128xi32, #tpu.memory_space<vmem>>
        %get3A_623 = tpu.memref_squeeze %get3A_622 : memref<1x128xi32, #tpu.memory_space<vmem>> -> memref<128xi32, #tpu.memory_space<vmem>>
        %get3A_624 = arith.constant 96 : index
        %get3A_625 = tpu.vector_load %get3A_623[%get3A_624] {strides = array<i32>} : memref<128xi32, #tpu.memory_space<vmem>>, vector<16xi32>,
        %get3A_626 = vector.shape_cast %get3A_625 : vector<16xi32> to vector<16xi32>
        %and3A_627 = vector.broadcast %squeeze3A : i32 to vector<16xi32>
        %and3A_628 = arith.andi %get3A_626, %and3A_627 : vector<16xi32>
        %swap3A_629 = arith.constant 96 : index
        %swap3A_630 = tpu.vector_load %arg7[%swap3A_629] {strides = array<i32>} : memref<128xi32, #tpu.memory_space<vmem>>, vector<16xi32>,
        %swap3A_631 = vector.shape_cast %swap3A_630 : vector<16xi32> to vector<16xi32>
        %swap3A_632 = vector.shape_cast %and3A_628 : vector<16xi32> to vector<16xi32>
        tpu.vector_store %arg7[%swap3A_629], %swap3A_632 {strides = array<i32>} : memref<128xi32, #tpu.memory_space<vmem>>, vector<16xi32>,
        %get3A_633 = arith.constant 0 : i32
        %get3A_634 = tpu.memref_slice %arg6[%add3A_548, %get3A_633] : memref<80x128xi32, #tpu.memory_space<vmem>> -> memref<1x128xi32, #tpu.memory_space<vmem>>
        %get3A_635 = tpu.memref_squeeze %get3A_634 : memref<1x128xi32, #tpu.memory_space<vmem>> -> memref<128xi32, #tpu.memory_space<vmem>>
        %get3A_636 = arith.constant 112 : index
        %get3A_637 = tpu.vector_load %get3A_635[%get3A_636] {strides = array<i32>} : memref<128xi32, #tpu.memory_space<vmem>>, vector<16xi32>,
        %get3A_638 = vector.shape_cast %get3A_637 : vector<16xi32> to vector<16xi32>
        %and3A_639 = vector.broadcast %squeeze3A : i32 to vector<16xi32>
        %and3A_640 = arith.andi %get3A_638, %and3A_639 : vector<16xi32>
        %swap3A_641 = arith.constant 112 : index
        %swap3A_642 = tpu.vector_load %arg7[%swap3A_641] {strides = array<i32>} : memref<128xi32, #tpu.memory_space<vmem>>, vector<16xi32>,
        %swap3A_643 = vector.shape_cast %swap3A_642 : vector<16xi32> to vector<16xi32>
        %swap3A_644 = vector.shape_cast %and3A_640 : vector<16xi32> to vector<16xi32>
        tpu.vector_store %arg7[%swap3A_641], %swap3A_644 {strides = array<i32>} : memref<128xi32, #tpu.memory_space<vmem>>, vector<16xi32>,
        %dma_start3A_645 = arith.constant 0 : i32
        %dma_start3A_646 = arith.constant 0 : i32
        %dma_start3A_647 = tpu.memref_slice %arg2[%dma_start3A_645, %dma_start3A_646] : memref<10000x128xf32, #tpu.memory_space<hbm>> -> memref<10000x128xf32, #tpu.memory_space<hbm>>
        tpu.enqueue_indirect_dma source(%dma_start3A_647 : memref<10000x128xf32, #tpu.memory_space<hbm>>) target(%arg10 : memref<128x128xf32, #tpu.memory_space<vmem>>) offsets(%arg7 : memref<128xi32, #tpu.memory_space<vmem>>) semaphore(%arg13 : memref<!tpu.dma_semaphore, #tpu.memory_space<semaphore_mem>>)
      } else {
      }
      %add3A_415 = arith.constant 1 : i32
      %add3A_416 = arith.addi %mul3A_289, %add3A_415 : i32
      %get3A_417 = arith.constant 0 : i32
      %get3A_418 = tpu.memref_slice %arg6[%add3A_416, %get3A_417] : memref<80x128xi32, #tpu.memory_space<vmem>> -> memref<1x128xi32, #tpu.memory_space<vmem>>
      %get3A_419 = tpu.memref_squeeze %get3A_418 : memref<1x128xi32, #tpu.memory_space<vmem>> -> memref<128xi32, #tpu.memory_space<vmem>>
      %get3A_420 = arith.constant 0 : index
      %get3A_421 = tpu.vector_load %get3A_419[%get3A_420] {strides = array<i32>} : memref<128xi32, #tpu.memory_space<vmem>>, vector<16xi32>,
      %get3A_422 = vector.shape_cast %get3A_421 : vector<16xi32> to vector<16xi32>
      %shift_right_logical3A_423 = arith.constant 14 : i32
      %shift_right_logical3A_424 = vector.broadcast %shift_right_logical3A_423 : i32 to vector<16xi32>
      %shift_right_logical3A_425 = arith.shrui %get3A_422, %shift_right_logical3A_424 : vector<16xi32>
      %and3A_426 = vector.broadcast %squeeze3A : i32 to vector<16xi32>
      %and3A_427 = arith.andi %shift_right_logical3A_425, %and3A_426 : vector<16xi32>
      %swap3A_428 = arith.constant 0 : index
      %swap3A_429 = tpu.vector_load %arg9[%swap3A_428] {strides = array<i32>} : memref<128xi32, #tpu.memory_space<vmem>>, vector<16xi32>,
      %swap3A_430 = vector.shape_cast %swap3A_429 : vector<16xi32> to vector<16xi32>
      %swap3A_431 = vector.shape_cast %and3A_427 : vector<16xi32> to vector<16xi32>
      tpu.vector_store %arg9[%swap3A_428], %swap3A_431 {strides = array<i32>} : memref<128xi32, #tpu.memory_space<vmem>>, vector<16xi32>,
      %get3A_432 = arith.constant 0 : i32
      %get3A_433 = tpu.memref_slice %arg6[%add3A_416, %get3A_432] : memref<80x128xi32, #tpu.memory_space<vmem>> -> memref<1x128xi32, #tpu.memory_space<vmem>>
      %get3A_434 = tpu.memref_squeeze %get3A_433 : memref<1x128xi32, #tpu.memory_space<vmem>> -> memref<128xi32, #tpu.memory_space<vmem>>
      %get3A_435 = arith.constant 16 : index
      %get3A_436 = tpu.vector_load %get3A_434[%get3A_435] {strides = array<i32>} : memref<128xi32, #tpu.memory_space<vmem>>, vector<16xi32>,
      %get3A_437 = vector.shape_cast %get3A_436 : vector<16xi32> to vector<16xi32>
      %shift_right_logical3A_438 = arith.constant 14 : i32
      %shift_right_logical3A_439 = vector.broadcast %shift_right_logical3A_438 : i32 to vector<16xi32>
      %shift_right_logical3A_440 = arith.shrui %get3A_437, %shift_right_logical3A_439 : vector<16xi32>
      %and3A_441 = vector.broadcast %squeeze3A : i32 to vector<16xi32>
      %and3A_442 = arith.andi %shift_right_logical3A_440, %and3A_441 : vector<16xi32>
      %swap3A_443 = arith.constant 16 : index
      %swap3A_444 = tpu.vector_load %arg9[%swap3A_443] {strides = array<i32>} : memref<128xi32, #tpu.memory_space<vmem>>, vector<16xi32>,
      %swap3A_445 = vector.shape_cast %swap3A_444 : vector<16xi32> to vector<16xi32>
      %swap3A_446 = vector.shape_cast %and3A_442 : vector<16xi32> to vector<16xi32>
      tpu.vector_store %arg9[%swap3A_443], %swap3A_446 {strides = array<i32>} : memref<128xi32, #tpu.memory_space<vmem>>, vector<16xi32>,
      %get3A_447 = arith.constant 0 : i32
      %get3A_448 = tpu.memref_slice %arg6[%add3A_416, %get3A_447] : memref<80x128xi32, #tpu.memory_space<vmem>> -> memref<1x128xi32, #tpu.memory_space<vmem>>
      %get3A_449 = tpu.memref_squeeze %get3A_448 : memref<1x128xi32, #tpu.memory_space<vmem>> -> memref<128xi32, #tpu.memory_space<vmem>>
      %get3A_450 = arith.constant 32 : index
      %get3A_451 = tpu.vector_load %get3A_449[%get3A_450] {strides = array<i32>} : memref<128xi32, #tpu.memory_space<vmem>>, vector<16xi32>,
      %get3A_452 = vector.shape_cast %get3A_451 : vector<16xi32> to vector<16xi32>
      %shift_right_logical3A_453 = arith.constant 14 : i32
      %shift_right_logical3A_454 = vector.broadcast %shift_right_logical3A_453 : i32 to vector<16xi32>
      %shift_right_logical3A_455 = arith.shrui %get3A_452, %shift_right_logical3A_454 : vector<16xi32>
      %and3A_456 = vector.broadcast %squeeze3A : i32 to vector<16xi32>
      %and3A_457 = arith.andi %shift_right_logical3A_455, %and3A_456 : vector<16xi32>
      %swap3A_458 = arith.constant 32 : index
      %swap3A_459 = tpu.vector_load %arg9[%swap3A_458] {strides = array<i32>} : memref<128xi32, #tpu.memory_space<vmem>>, vector<16xi32>,
      %swap3A_460 = vector.shape_cast %swap3A_459 : vector<16xi32> to vector<16xi32>
      %swap3A_461 = vector.shape_cast %and3A_457 : vector<16xi32> to vector<16xi32>
      tpu.vector_store %arg9[%swap3A_458], %swap3A_461 {strides = array<i32>} : memref<128xi32, #tpu.memory_space<vmem>>, vector<16xi32>,
      %get3A_462 = arith.constant 0 : i32
      %get3A_463 = tpu.memref_slice %arg6[%add3A_416, %get3A_462] : memref<80x128xi32, #tpu.memory_space<vmem>> -> memref<1x128xi32, #tpu.memory_space<vmem>>
      %get3A_464 = tpu.memref_squeeze %get3A_463 : memref<1x128xi32, #tpu.memory_space<vmem>> -> memref<128xi32, #tpu.memory_space<vmem>>
      %get3A_465 = arith.constant 48 : index
      %get3A_466 = tpu.vector_load %get3A_464[%get3A_465] {strides = array<i32>} : memref<128xi32, #tpu.memory_space<vmem>>, vector<16xi32>,
      %get3A_467 = vector.shape_cast %get3A_466 : vector<16xi32> to vector<16xi32>
      %shift_right_logical3A_468 = arith.constant 14 : i32
      %shift_right_logical3A_469 = vector.broadcast %shift_right_logical3A_468 : i32 to vector<16xi32>
      %shift_right_logical3A_470 = arith.shrui %get3A_467, %shift_right_logical3A_469 : vector<16xi32>
      %and3A_471 = vector.broadcast %squeeze3A : i32 to vector<16xi32>
      %and3A_472 = arith.andi %shift_right_logical3A_470, %and3A_471 : vector<16xi32>
      %swap3A_473 = arith.constant 48 : index
      %swap3A_474 = tpu.vector_load %arg9[%swap3A_473] {strides = array<i32>} : memref<128xi32, #tpu.memory_space<vmem>>, vector<16xi32>,
      %swap3A_475 = vector.shape_cast %swap3A_474 : vector<16xi32> to vector<16xi32>
      %swap3A_476 = vector.shape_cast %and3A_472 : vector<16xi32> to vector<16xi32>
      tpu.vector_store %arg9[%swap3A_473], %swap3A_476 {strides = array<i32>} : memref<128xi32, #tpu.memory_space<vmem>>, vector<16xi32>,
      %get3A_477 = arith.constant 0 : i32
      %get3A_478 = tpu.memref_slice %arg6[%add3A_416, %get3A_477] : memref<80x128xi32, #tpu.memory_space<vmem>> -> memref<1x128xi32, #tpu.memory_space<vmem>>
      %get3A_479 = tpu.memref_squeeze %get3A_478 : memref<1x128xi32, #tpu.memory_space<vmem>> -> memref<128xi32, #tpu.memory_space<vmem>>
      %get3A_480 = arith.constant 64 : index
      %get3A_481 = tpu.vector_load %get3A_479[%get3A_480] {strides = array<i32>} : memref<128xi32, #tpu.memory_space<vmem>>, vector<16xi32>,
      %get3A_482 = vector.shape_cast %get3A_481 : vector<16xi32> to vector<16xi32>
      %shift_right_logical3A_483 = arith.constant 14 : i32
      %shift_right_logical3A_484 = vector.broadcast %shift_right_logical3A_483 : i32 to vector<16xi32>
      %shift_right_logical3A_485 = arith.shrui %get3A_482, %shift_right_logical3A_484 : vector<16xi32>
      %and3A_486 = vector.broadcast %squeeze3A : i32 to vector<16xi32>
      %and3A_487 = arith.andi %shift_right_logical3A_485, %and3A_486 : vector<16xi32>
      %swap3A_488 = arith.constant 64 : index
      %swap3A_489 = tpu.vector_load %arg9[%swap3A_488] {strides = array<i32>} : memref<128xi32, #tpu.memory_space<vmem>>, vector<16xi32>,
      %swap3A_490 = vector.shape_cast %swap3A_489 : vector<16xi32> to vector<16xi32>
      %swap3A_491 = vector.shape_cast %and3A_487 : vector<16xi32> to vector<16xi32>
      tpu.vector_store %arg9[%swap3A_488], %swap3A_491 {strides = array<i32>} : memref<128xi32, #tpu.memory_space<vmem>>, vector<16xi32>,
      %get3A_492 = arith.constant 0 : i32
      %get3A_493 = tpu.memref_slice %arg6[%add3A_416, %get3A_492] : memref<80x128xi32, #tpu.memory_space<vmem>> -> memref<1x128xi32, #tpu.memory_space<vmem>>
      %get3A_494 = tpu.memref_squeeze %get3A_493 : memref<1x128xi32, #tpu.memory_space<vmem>> -> memref<128xi32, #tpu.memory_space<vmem>>
      %get3A_495 = arith.constant 80 : index
      %get3A_496 = tpu.vector_load %get3A_494[%get3A_495] {strides = array<i32>} : memref<128xi32, #tpu.memory_space<vmem>>, vector<16xi32>,
      %get3A_497 = vector.shape_cast %get3A_496 : vector<16xi32> to vector<16xi32>
      %shift_right_logical3A_498 = arith.constant 14 : i32
      %shift_right_logical3A_499 = vector.broadcast %shift_right_logical3A_498 : i32 to vector<16xi32>
      %shift_right_logical3A_500 = arith.shrui %get3A_497, %shift_right_logical3A_499 : vector<16xi32>
      %and3A_501 = vector.broadcast %squeeze3A : i32 to vector<16xi32>
      %and3A_502 = arith.andi %shift_right_logical3A_500, %and3A_501 : vector<16xi32>
      %swap3A_503 = arith.constant 80 : index
      %swap3A_504 = tpu.vector_load %arg9[%swap3A_503] {strides = array<i32>} : memref<128xi32, #tpu.memory_space<vmem>>, vector<16xi32>,
      %swap3A_505 = vector.shape_cast %swap3A_504 : vector<16xi32> to vector<16xi32>
      %swap3A_506 = vector.shape_cast %and3A_502 : vector<16xi32> to vector<16xi32>
      tpu.vector_store %arg9[%swap3A_503], %swap3A_506 {strides = array<i32>} : memref<128xi32, #tpu.memory_space<vmem>>, vector<16xi32>,
      %get3A_507 = arith.constant 0 : i32
      %get3A_508 = tpu.memref_slice %arg6[%add3A_416, %get3A_507] : memref<80x128xi32, #tpu.memory_space<vmem>> -> memref<1x128xi32, #tpu.memory_space<vmem>>
      %get3A_509 = tpu.memref_squeeze %get3A_508 : memref<1x128xi32, #tpu.memory_space<vmem>> -> memref<128xi32, #tpu.memory_space<vmem>>
      %get3A_510 = arith.constant 96 : index
      %get3A_511 = tpu.vector_load %get3A_509[%get3A_510] {strides = array<i32>} : memref<128xi32, #tpu.memory_space<vmem>>, vector<16xi32>,
      %get3A_512 = vector.shape_cast %get3A_511 : vector<16xi32> to vector<16xi32>
      %shift_right_logical3A_513 = arith.constant 14 : i32
      %shift_right_logical3A_514 = vector.broadcast %shift_right_logical3A_513 : i32 to vector<16xi32>
      %shift_right_logical3A_515 = arith.shrui %get3A_512, %shift_right_logical3A_514 : vector<16xi32>
      %and3A_516 = vector.broadcast %squeeze3A : i32 to vector<16xi32>
      %and3A_517 = arith.andi %shift_right_logical3A_515, %and3A_516 : vector<16xi32>
      %swap3A_518 = arith.constant 96 : index
      %swap3A_519 = tpu.vector_load %arg9[%swap3A_518] {strides = array<i32>} : memref<128xi32, #tpu.memory_space<vmem>>, vector<16xi32>,
      %swap3A_520 = vector.shape_cast %swap3A_519 : vector<16xi32> to vector<16xi32>
      %swap3A_521 = vector.shape_cast %and3A_517 : vector<16xi32> to vector<16xi32>
      tpu.vector_store %arg9[%swap3A_518], %swap3A_521 {strides = array<i32>} : memref<128xi32, #tpu.memory_space<vmem>>, vector<16xi32>,
      %get3A_522 = arith.constant 0 : i32
      %get3A_523 = tpu.memref_slice %arg6[%add3A_416, %get3A_522] : memref<80x128xi32, #tpu.memory_space<vmem>> -> memref<1x128xi32, #tpu.memory_space<vmem>>
      %get3A_524 = tpu.memref_squeeze %get3A_523 : memref<1x128xi32, #tpu.memory_space<vmem>> -> memref<128xi32, #tpu.memory_space<vmem>>
      %get3A_525 = arith.constant 112 : index
      %get3A_526 = tpu.vector_load %get3A_524[%get3A_525] {strides = array<i32>} : memref<128xi32, #tpu.memory_space<vmem>>, vector<16xi32>,
      %get3A_527 = vector.shape_cast %get3A_526 : vector<16xi32> to vector<16xi32>
      %shift_right_logical3A_528 = arith.constant 14 : i32
      %shift_right_logical3A_529 = vector.broadcast %shift_right_logical3A_528 : i32 to vector<16xi32>
      %shift_right_logical3A_530 = arith.shrui %get3A_527, %shift_right_logical3A_529 : vector<16xi32>
      %and3A_531 = vector.broadcast %squeeze3A : i32 to vector<16xi32>
      %and3A_532 = arith.andi %shift_right_logical3A_530, %and3A_531 : vector<16xi32>
      %swap3A_533 = arith.constant 112 : index
      %swap3A_534 = tpu.vector_load %arg9[%swap3A_533] {strides = array<i32>} : memref<128xi32, #tpu.memory_space<vmem>>, vector<16xi32>,
      %swap3A_535 = vector.shape_cast %swap3A_534 : vector<16xi32> to vector<16xi32>
      %swap3A_536 = vector.shape_cast %and3A_532 : vector<16xi32> to vector<16xi32>
      tpu.vector_store %arg9[%swap3A_533], %swap3A_536 {strides = array<i32>} : memref<128xi32, #tpu.memory_space<vmem>>, vector<16xi32>,
      %dma_wait3A_537 = arith.constant 0 : i32
      %dma_wait3A_538 = arith.constant 0 : i32
      %dma_wait3A_539 = tpu.memref_slice %arg2[%dma_wait3A_537, %dma_wait3A_538] : memref<10000x128xf32, #tpu.memory_space<hbm>> -> memref<10000x128xf32, #tpu.memory_space<hbm>>
      tpu.wait_indirect_dma semaphore(%arg14 : memref<!tpu.dma_semaphore, #tpu.memory_space<semaphore_mem>>) src(%dma_wait3A_539 : memref<10000x128xf32, #tpu.memory_space<hbm>>) dst(%arg11 : memref<128x128xf32, #tpu.memory_space<vmem>>)
      "tpu.region"() ({
        %run_scoped3A = tpu.sem_alloc : memref<!tpu.dma_semaphore, #tpu.memory_space<semaphore_mem>>
        %dma_start3A_547 = arith.constant 0 : i32
        %dma_start3A_548 = arith.constant 0 : i32
        %dma_start3A_549 = tpu.memref_slice %arg12[%dma_start3A_547, %dma_start3A_548] : memref<10240x128xf32, #tpu.memory_space<vmem_shared>> -> memref<10240x128xf32, #tpu.memory_space<vmem_shared>>
        tpu.enqueue_indirect_dma source(%arg11 : memref<128x128xf32, #tpu.memory_space<vmem>>) target(%dma_start3A_549 : memref<10240x128xf32, #tpu.memory_space<vmem_shared>>) offsets(%arg9 : memref<128xi32, #tpu.memory_space<vmem>>) semaphore(%run_scoped3A : memref<!tpu.dma_semaphore, #tpu.memory_space<semaphore_mem>>) {add = true}
        %dma_wait3A_550 = arith.constant 0 : i32
        %dma_wait3A_551 = arith.constant 0 : i32
        %dma_wait3A_552 = tpu.memref_slice %arg12[%dma_wait3A_550, %dma_wait3A_551] : memref<10240x128xf32, #tpu.memory_space<vmem_shared>> -> memref<10240x128xf32, #tpu.memory_space<vmem_shared>>
        tpu.wait_indirect_dma semaphore(%run_scoped3A : memref<!tpu.dma_semaphore, #tpu.memory_space<semaphore_mem>>) src(%arg11 : memref<128x128xf32, #tpu.memory_space<vmem>>) dst(%dma_wait3A_552 : memref<10240x128xf32, #tpu.memory_space<vmem_shared>>)
        tpu.yield
      }) : () -> ()
      %add3A_540 = arith.constant 3 : i32
      %add3A_541 = arith.addi %mul3A_289, %add3A_540 : i32
      %lt3A_542 = arith.constant 80 : i32
      %lt3A_543 = arith.cmpi slt, %add3A_541, %lt3A_542 : i32
      %convert_element_type3A_544 = arith.extui %lt3A_543 : i1 to i32
      %cond3A_545 = arith.constant 0 : i32
      %cond3A_546 = arith.cmpi ne, %convert_element_type3A_544, %cond3A_545 : i32
      scf.if %cond3A_546 {
        %add3A_547 = arith.constant 3 : i32
        %add3A_548 = arith.addi %mul3A_289, %add3A_547 : i32
        %get3A_549 = arith.constant 0 : i32
        %get3A_550 = tpu.memref_slice %arg6[%add3A_548, %get3A_549] : memref<80x128xi32, #tpu.memory_space<vmem>> -> memref<1x128xi32, #tpu.memory_space<vmem>>
        %get3A_551 = tpu.memref_squeeze %get3A_550 : memref<1x128xi32, #tpu.memory_space<vmem>> -> memref<128xi32, #tpu.memory_space<vmem>>
        %get3A_552 = arith.constant 0 : index
        %get3A_553 = tpu.vector_load %get3A_551[%get3A_552] {strides = array<i32>} : memref<128xi32, #tpu.memory_space<vmem>>, vector<16xi32>,
        %get3A_554 = vector.shape_cast %get3A_553 : vector<16xi32> to vector<16xi32>
        %and3A_555 = vector.broadcast %squeeze3A : i32 to vector<16xi32>
        %and3A_556 = arith.andi %get3A_554, %and3A_555 : vector<16xi32>
        %swap3A_557 = arith.constant 0 : index
        %swap3A_558 = tpu.vector_load %arg8[%swap3A_557] {strides = array<i32>} : memref<128xi32, #tpu.memory_space<vmem>>, vector<16xi32>,
        %swap3A_559 = vector.shape_cast %swap3A_558 : vector<16xi32> to vector<16xi32>
        %swap3A_560 = vector.shape_cast %and3A_556 : vector<16xi32> to vector<16xi32>
        tpu.vector_store %arg8[%swap3A_557], %swap3A_560 {strides = array<i32>} : memref<128xi32, #tpu.memory_space<vmem>>, vector<16xi32>,
        %get3A_561 = arith.constant 0 : i32
        %get3A_562 = tpu.memref_slice %arg6[%add3A_548, %get3A_561] : memref<80x128xi32, #tpu.memory_space<vmem>> -> memref<1x128xi32, #tpu.memory_space<vmem>>
        %get3A_563 = tpu.memref_squeeze %get3A_562 : memref<1x128xi32, #tpu.memory_space<vmem>> -> memref<128xi32, #tpu.memory_space<vmem>>
        %get3A_564 = arith.constant 16 : index
        %get3A_565 = tpu.vector_load %get3A_563[%get3A_564] {strides = array<i32>} : memref<128xi32, #tpu.memory_space<vmem>>, vector<16xi32>,
        %get3A_566 = vector.shape_cast %get3A_565 : vector<16xi32> to vector<16xi32>
        %and3A_567 = vector.broadcast %squeeze3A : i32 to vector<16xi32>
        %and3A_568 = arith.andi %get3A_566, %and3A_567 : vector<16xi32>
        %swap3A_569 = arith.constant 16 : index
        %swap3A_570 = tpu.vector_load %arg8[%swap3A_569] {strides = array<i32>} : memref<128xi32, #tpu.memory_space<vmem>>, vector<16xi32>,
        %swap3A_571 = vector.shape_cast %swap3A_570 : vector<16xi32> to vector<16xi32>
        %swap3A_572 = vector.shape_cast %and3A_568 : vector<16xi32> to vector<16xi32>
        tpu.vector_store %arg8[%swap3A_569], %swap3A_572 {strides = array<i32>} : memref<128xi32, #tpu.memory_space<vmem>>, vector<16xi32>,
        %get3A_573 = arith.constant 0 : i32
        %get3A_574 = tpu.memref_slice %arg6[%add3A_548, %get3A_573] : memref<80x128xi32, #tpu.memory_space<vmem>> -> memref<1x128xi32, #tpu.memory_space<vmem>>
        %get3A_575 = tpu.memref_squeeze %get3A_574 : memref<1x128xi32, #tpu.memory_space<vmem>> -> memref<128xi32, #tpu.memory_space<vmem>>
        %get3A_576 = arith.constant 32 : index
        %get3A_577 = tpu.vector_load %get3A_575[%get3A_576] {strides = array<i32>} : memref<128xi32, #tpu.memory_space<vmem>>, vector<16xi32>,
        %get3A_578 = vector.shape_cast %get3A_577 : vector<16xi32> to vector<16xi32>
        %and3A_579 = vector.broadcast %squeeze3A : i32 to vector<16xi32>
        %and3A_580 = arith.andi %get3A_578, %and3A_579 : vector<16xi32>
        %swap3A_581 = arith.constant 32 : index
        %swap3A_582 = tpu.vector_load %arg8[%swap3A_581] {strides = array<i32>} : memref<128xi32, #tpu.memory_space<vmem>>, vector<16xi32>,
        %swap3A_583 = vector.shape_cast %swap3A_582 : vector<16xi32> to vector<16xi32>
        %swap3A_584 = vector.shape_cast %and3A_580 : vector<16xi32> to vector<16xi32>
        tpu.vector_store %arg8[%swap3A_581], %swap3A_584 {strides = array<i32>} : memref<128xi32, #tpu.memory_space<vmem>>, vector<16xi32>,
        %get3A_585 = arith.constant 0 : i32
        %get3A_586 = tpu.memref_slice %arg6[%add3A_548, %get3A_585] : memref<80x128xi32, #tpu.memory_space<vmem>> -> memref<1x128xi32, #tpu.memory_space<vmem>>
        %get3A_587 = tpu.memref_squeeze %get3A_586 : memref<1x128xi32, #tpu.memory_space<vmem>> -> memref<128xi32, #tpu.memory_space<vmem>>
        %get3A_588 = arith.constant 48 : index
        %get3A_589 = tpu.vector_load %get3A_587[%get3A_588] {strides = array<i32>} : memref<128xi32, #tpu.memory_space<vmem>>, vector<16xi32>,
        %get3A_590 = vector.shape_cast %get3A_589 : vector<16xi32> to vector<16xi32>
        %and3A_591 = vector.broadcast %squeeze3A : i32 to vector<16xi32>
        %and3A_592 = arith.andi %get3A_590, %and3A_591 : vector<16xi32>
        %swap3A_593 = arith.constant 48 : index
        %swap3A_594 = tpu.vector_load %arg8[%swap3A_593] {strides = array<i32>} : memref<128xi32, #tpu.memory_space<vmem>>, vector<16xi32>,
        %swap3A_595 = vector.shape_cast %swap3A_594 : vector<16xi32> to vector<16xi32>
        %swap3A_596 = vector.shape_cast %and3A_592 : vector<16xi32> to vector<16xi32>
        tpu.vector_store %arg8[%swap3A_593], %swap3A_596 {strides = array<i32>} : memref<128xi32, #tpu.memory_space<vmem>>, vector<16xi32>,
        %get3A_597 = arith.constant 0 : i32
        %get3A_598 = tpu.memref_slice %arg6[%add3A_548, %get3A_597] : memref<80x128xi32, #tpu.memory_space<vmem>> -> memref<1x128xi32, #tpu.memory_space<vmem>>
        %get3A_599 = tpu.memref_squeeze %get3A_598 : memref<1x128xi32, #tpu.memory_space<vmem>> -> memref<128xi32, #tpu.memory_space<vmem>>
        %get3A_600 = arith.constant 64 : index
        %get3A_601 = tpu.vector_load %get3A_599[%get3A_600] {strides = array<i32>} : memref<128xi32, #tpu.memory_space<vmem>>, vector<16xi32>,
        %get3A_602 = vector.shape_cast %get3A_601 : vector<16xi32> to vector<16xi32>
        %and3A_603 = vector.broadcast %squeeze3A : i32 to vector<16xi32>
        %and3A_604 = arith.andi %get3A_602, %and3A_603 : vector<16xi32>
        %swap3A_605 = arith.constant 64 : index
        %swap3A_606 = tpu.vector_load %arg8[%swap3A_605] {strides = array<i32>} : memref<128xi32, #tpu.memory_space<vmem>>, vector<16xi32>,
        %swap3A_607 = vector.shape_cast %swap3A_606 : vector<16xi32> to vector<16xi32>
        %swap3A_608 = vector.shape_cast %and3A_604 : vector<16xi32> to vector<16xi32>
        tpu.vector_store %arg8[%swap3A_605], %swap3A_608 {strides = array<i32>} : memref<128xi32, #tpu.memory_space<vmem>>, vector<16xi32>,
        %get3A_609 = arith.constant 0 : i32
        %get3A_610 = tpu.memref_slice %arg6[%add3A_548, %get3A_609] : memref<80x128xi32, #tpu.memory_space<vmem>> -> memref<1x128xi32, #tpu.memory_space<vmem>>
        %get3A_611 = tpu.memref_squeeze %get3A_610 : memref<1x128xi32, #tpu.memory_space<vmem>> -> memref<128xi32, #tpu.memory_space<vmem>>
        %get3A_612 = arith.constant 80 : index
        %get3A_613 = tpu.vector_load %get3A_611[%get3A_612] {strides = array<i32>} : memref<128xi32, #tpu.memory_space<vmem>>, vector<16xi32>,
        %get3A_614 = vector.shape_cast %get3A_613 : vector<16xi32> to vector<16xi32>
        %and3A_615 = vector.broadcast %squeeze3A : i32 to vector<16xi32>
        %and3A_616 = arith.andi %get3A_614, %and3A_615 : vector<16xi32>
        %swap3A_617 = arith.constant 80 : index
        %swap3A_618 = tpu.vector_load %arg8[%swap3A_617] {strides = array<i32>} : memref<128xi32, #tpu.memory_space<vmem>>, vector<16xi32>,
        %swap3A_619 = vector.shape_cast %swap3A_618 : vector<16xi32> to vector<16xi32>
        %swap3A_620 = vector.shape_cast %and3A_616 : vector<16xi32> to vector<16xi32>
        tpu.vector_store %arg8[%swap3A_617], %swap3A_620 {strides = array<i32>} : memref<128xi32, #tpu.memory_space<vmem>>, vector<16xi32>,
        %get3A_621 = arith.constant 0 : i32
        %get3A_622 = tpu.memref_slice %arg6[%add3A_548, %get3A_621] : memref<80x128xi32, #tpu.memory_space<vmem>> -> memref<1x128xi32, #tpu.memory_space<vmem>>
        %get3A_623 = tpu.memref_squeeze %get3A_622 : memref<1x128xi32, #tpu.memory_space<vmem>> -> memref<128xi32, #tpu.memory_space<vmem>>
        %get3A_624 = arith.constant 96 : index
        %get3A_625 = tpu.vector_load %get3A_623[%get3A_624] {strides = array<i32>} : memref<128xi32, #tpu.memory_space<vmem>>, vector<16xi32>,
        %get3A_626 = vector.shape_cast %get3A_625 : vector<16xi32> to vector<16xi32>
        %and3A_627 = vector.broadcast %squeeze3A : i32 to vector<16xi32>
        %and3A_628 = arith.andi %get3A_626, %and3A_627 : vector<16xi32>
        %swap3A_629 = arith.constant 96 : index
        %swap3A_630 = tpu.vector_load %arg8[%swap3A_629] {strides = array<i32>} : memref<128xi32, #tpu.memory_space<vmem>>, vector<16xi32>,
        %swap3A_631 = vector.shape_cast %swap3A_630 : vector<16xi32> to vector<16xi32>
        %swap3A_632 = vector.shape_cast %and3A_628 : vector<16xi32> to vector<16xi32>
        tpu.vector_store %arg8[%swap3A_629], %swap3A_632 {strides = array<i32>} : memref<128xi32, #tpu.memory_space<vmem>>, vector<16xi32>,
        %get3A_633 = arith.constant 0 : i32
        %get3A_634 = tpu.memref_slice %arg6[%add3A_548, %get3A_633] : memref<80x128xi32, #tpu.memory_space<vmem>> -> memref<1x128xi32, #tpu.memory_space<vmem>>
        %get3A_635 = tpu.memref_squeeze %get3A_634 : memref<1x128xi32, #tpu.memory_space<vmem>> -> memref<128xi32, #tpu.memory_space<vmem>>
        %get3A_636 = arith.constant 112 : index
        %get3A_637 = tpu.vector_load %get3A_635[%get3A_636] {strides = array<i32>} : memref<128xi32, #tpu.memory_space<vmem>>, vector<16xi32>,
        %get3A_638 = vector.shape_cast %get3A_637 : vector<16xi32> to vector<16xi32>
        %and3A_639 = vector.broadcast %squeeze3A : i32 to vector<16xi32>
        %and3A_640 = arith.andi %get3A_638, %and3A_639 : vector<16xi32>
        %swap3A_641 = arith.constant 112 : index
        %swap3A_642 = tpu.vector_load %arg8[%swap3A_641] {strides = array<i32>} : memref<128xi32, #tpu.memory_space<vmem>>, vector<16xi32>,
        %swap3A_643 = vector.shape_cast %swap3A_642 : vector<16xi32> to vector<16xi32>
        %swap3A_644 = vector.shape_cast %and3A_640 : vector<16xi32> to vector<16xi32>
        tpu.vector_store %arg8[%swap3A_641], %swap3A_644 {strides = array<i32>} : memref<128xi32, #tpu.memory_space<vmem>>, vector<16xi32>,
        %dma_start3A_645 = arith.constant 0 : i32
        %dma_start3A_646 = arith.constant 0 : i32
        %dma_start3A_647 = tpu.memref_slice %arg2[%dma_start3A_645, %dma_start3A_646] : memref<10000x128xf32, #tpu.memory_space<hbm>> -> memref<10000x128xf32, #tpu.memory_space<hbm>>
        tpu.enqueue_indirect_dma source(%dma_start3A_647 : memref<10000x128xf32, #tpu.memory_space<hbm>>) target(%arg11 : memref<128x128xf32, #tpu.memory_space<vmem>>) offsets(%arg8 : memref<128xi32, #tpu.memory_space<vmem>>) semaphore(%arg14 : memref<!tpu.dma_semaphore, #tpu.memory_space<semaphore_mem>>)
      } else {
      }
    }
    %scan3A_255 = arith.constant 40 : i32
    %barrier3A_256 = arith.constant 0 : index
    tpu.barrier barrier_id(%barrier3A_256)
    %mul3A_257 = arith.constant 5 : i32
    %mul3A_258 = arith.muli %arg1, %mul3A_257 : i32
    %add3A_259 = arith.constant 0 : i32
    %add3A_260 = arith.addi %mul3A_258, %add3A_259 : i32
    %mul3A_261 = arith.constant 128 : i32
    %mul3A_262 = arith.muli %add3A_260, %mul3A_261 : i32
    "tpu.region"() ({
      %run_scoped3A = tpu.sem_alloc : memref<!tpu.dma_semaphore, #tpu.memory_space<semaphore_mem>>
      %dma_start3A_287 = arith.constant 0 : i32
      %dma_start3A_288 = tpu.memref_slice %arg5[%arg0, %mul3A_262, %dma_start3A_287] : memref<2x10240x128xf32, #tpu.memory_space<hbm>> -> memref<1x128x128xf32, #tpu.memory_space<hbm>>
      %dma_start3A_289 = tpu.memref_squeeze %dma_start3A_288 : memref<1x128x128xf32, #tpu.memory_space<hbm>> -> memref<128x128xf32, #tpu.memory_space<hbm>>
      %dma_start3A_290 = arith.constant 0 : i32
      %dma_start3A_291 = tpu.memref_slice %arg12[%mul3A_262, %dma_start3A_290] : memref<10240x128xf32, #tpu.memory_space<vmem_shared>> -> memref<128x128xf32, #tpu.memory_space<vmem_shared>>
      tpu.enqueue_dma source(%dma_start3A_291 : memref<128x128xf32, #tpu.memory_space<vmem_shared>>) target(%dma_start3A_289 : memref<128x128xf32, #tpu.memory_space<hbm>>) target_semaphore(%run_scoped3A : memref<!tpu.dma_semaphore, #tpu.memory_space<semaphore_mem>>)
      %dma_wait3A = arith.constant 0 : i32
      %dma_wait3A_292 = tpu.memref_slice %arg5[%arg0, %mul3A_262, %dma_wait3A] : memref<2x10240x128xf32, #tpu.memory_space<hbm>> -> memref<1x128x128xf32, #tpu.memory_space<hbm>>
      %dma_wait3A_293 = tpu.memref_squeeze %dma_wait3A_292 : memref<1x128x128xf32, #tpu.memory_space<hbm>> -> memref<128x128xf32, #tpu.memory_space<hbm>>
      %dma_wait3A_294 = arith.constant 0 : i32
      %dma_wait3A_295 = tpu.memref_slice %arg12[%mul3A_262, %dma_wait3A_294] : memref<10240x128xf32, #tpu.memory_space<vmem_shared>> -> memref<128x128xf32, #tpu.memory_space<vmem_shared>>
      tpu.wait_dma2 semaphore(%run_scoped3A : memref<!tpu.dma_semaphore, #tpu.memory_space<semaphore_mem>>) src(%dma_wait3A_295 : memref<128x128xf32, #tpu.memory_space<vmem_shared>>) dst(%dma_wait3A_293 : memref<128x128xf32, #tpu.memory_space<hbm>>)
      tpu.yield
    }) : () -> ()
    %mul3A_263 = arith.constant 5 : i32
    %mul3A_264 = arith.muli %arg1, %mul3A_263 : i32
    %add3A_265 = arith.constant 1 : i32
    %add3A_266 = arith.addi %mul3A_264, %add3A_265 : i32
    %mul3A_267 = arith.constant 128 : i32
    %mul3A_268 = arith.muli %add3A_266, %mul3A_267 : i32
    "tpu.region"() ({
      %run_scoped3A = tpu.sem_alloc : memref<!tpu.dma_semaphore, #tpu.memory_space<semaphore_mem>>
      %dma_start3A_287 = arith.constant 0 : i32
      %dma_start3A_288 = tpu.memref_slice %arg5[%arg0, %mul3A_268, %dma_start3A_287] : memref<2x10240x128xf32, #tpu.memory_space<hbm>> -> memref<1x128x128xf32, #tpu.memory_space<hbm>>
      %dma_start3A_289 = tpu.memref_squeeze %dma_start3A_288 : memref<1x128x128xf32, #tpu.memory_space<hbm>> -> memref<128x128xf32, #tpu.memory_space<hbm>>
      %dma_start3A_290 = arith.constant 0 : i32
      %dma_start3A_291 = tpu.memref_slice %arg12[%mul3A_268, %dma_start3A_290] : memref<10240x128xf32, #tpu.memory_space<vmem_shared>> -> memref<128x128xf32, #tpu.memory_space<vmem_shared>>
      tpu.enqueue_dma source(%dma_start3A_291 : memref<128x128xf32, #tpu.memory_space<vmem_shared>>) target(%dma_start3A_289 : memref<128x128xf32, #tpu.memory_space<hbm>>) target_semaphore(%run_scoped3A : memref<!tpu.dma_semaphore, #tpu.memory_space<semaphore_mem>>)
      %dma_wait3A = arith.constant 0 : i32
      %dma_wait3A_292 = tpu.memref_slice %arg5[%arg0, %mul3A_268, %dma_wait3A] : memref<2x10240x128xf32, #tpu.memory_space<hbm>> -> memref<1x128x128xf32, #tpu.memory_space<hbm>>
      %dma_wait3A_293 = tpu.memref_squeeze %dma_wait3A_292 : memref<1x128x128xf32, #tpu.memory_space<hbm>> -> memref<128x128xf32, #tpu.memory_space<hbm>>
      %dma_wait3A_294 = arith.constant 0 : i32
      %dma_wait3A_295 = tpu.memref_slice %arg12[%mul3A_268, %dma_wait3A_294] : memref<10240x128xf32, #tpu.memory_space<vmem_shared>> -> memref<128x128xf32, #tpu.memory_space<vmem_shared>>
      tpu.wait_dma2 semaphore(%run_scoped3A : memref<!tpu.dma_semaphore, #tpu.memory_space<semaphore_mem>>) src(%dma_wait3A_295 : memref<128x128xf32, #tpu.memory_space<vmem_shared>>) dst(%dma_wait3A_293 : memref<128x128xf32, #tpu.memory_space<hbm>>)
      tpu.yield
    }) : () -> ()
    %mul3A_269 = arith.constant 5 : i32
    %mul3A_270 = arith.muli %arg1, %mul3A_269 : i32
    %add3A_271 = arith.constant 2 : i32
    %add3A_272 = arith.addi %mul3A_270, %add3A_271 : i32
    %mul3A_273 = arith.constant 128 : i32
    %mul3A_274 = arith.muli %add3A_272, %mul3A_273 : i32
    "tpu.region"() ({
      %run_scoped3A = tpu.sem_alloc : memref<!tpu.dma_semaphore, #tpu.memory_space<semaphore_mem>>
      %dma_start3A_287 = arith.constant 0 : i32
      %dma_start3A_288 = tpu.memref_slice %arg5[%arg0, %mul3A_274, %dma_start3A_287] : memref<2x10240x128xf32, #tpu.memory_space<hbm>> -> memref<1x128x128xf32, #tpu.memory_space<hbm>>
      %dma_start3A_289 = tpu.memref_squeeze %dma_start3A_288 : memref<1x128x128xf32, #tpu.memory_space<hbm>> -> memref<128x128xf32, #tpu.memory_space<hbm>>
      %dma_start3A_290 = arith.constant 0 : i32
      %dma_start3A_291 = tpu.memref_slice %arg12[%mul3A_274, %dma_start3A_290] : memref<10240x128xf32, #tpu.memory_space<vmem_shared>> -> memref<128x128xf32, #tpu.memory_space<vmem_shared>>
      tpu.enqueue_dma source(%dma_start3A_291 : memref<128x128xf32, #tpu.memory_space<vmem_shared>>) target(%dma_start3A_289 : memref<128x128xf32, #tpu.memory_space<hbm>>) target_semaphore(%run_scoped3A : memref<!tpu.dma_semaphore, #tpu.memory_space<semaphore_mem>>)
      %dma_wait3A = arith.constant 0 : i32
      %dma_wait3A_292 = tpu.memref_slice %arg5[%arg0, %mul3A_274, %dma_wait3A] : memref<2x10240x128xf32, #tpu.memory_space<hbm>> -> memref<1x128x128xf32, #tpu.memory_space<hbm>>
      %dma_wait3A_293 = tpu.memref_squeeze %dma_wait3A_292 : memref<1x128x128xf32, #tpu.memory_space<hbm>> -> memref<128x128xf32, #tpu.memory_space<hbm>>
      %dma_wait3A_294 = arith.constant 0 : i32
      %dma_wait3A_295 = tpu.memref_slice %arg12[%mul3A_274, %dma_wait3A_294] : memref<10240x128xf32, #tpu.memory_space<vmem_shared>> -> memref<128x128xf32, #tpu.memory_space<vmem_shared>>
      tpu.wait_dma2 semaphore(%run_scoped3A : memref<!tpu.dma_semaphore, #tpu.memory_space<semaphore_mem>>) src(%dma_wait3A_295 : memref<128x128xf32, #tpu.memory_space<vmem_shared>>) dst(%dma_wait3A_293 : memref<128x128xf32, #tpu.memory_space<hbm>>)
      tpu.yield
    }) : () -> ()
    %mul3A_275 = arith.constant 5 : i32
    %mul3A_276 = arith.muli %arg1, %mul3A_275 : i32
    %add3A_277 = arith.constant 3 : i32
    %add3A_278 = arith.addi %mul3A_276, %add3A_277 : i32
    %mul3A_279 = arith.constant 128 : i32
    %mul3A_280 = arith.muli %add3A_278, %mul3A_279 : i32
    "tpu.region"() ({
      %run_scoped3A = tpu.sem_alloc : memref<!tpu.dma_semaphore, #tpu.memory_space<semaphore_mem>>
      %dma_start3A_287 = arith.constant 0 : i32
      %dma_start3A_288 = tpu.memref_slice %arg5[%arg0, %mul3A_280, %dma_start3A_287] : memref<2x10240x128xf32, #tpu.memory_space<hbm>> -> memref<1x128x128xf32, #tpu.memory_space<hbm>>
      %dma_start3A_289 = tpu.memref_squeeze %dma_start3A_288 : memref<1x128x128xf32, #tpu.memory_space<hbm>> -> memref<128x128xf32, #tpu.memory_space<hbm>>
      %dma_start3A_290 = arith.constant 0 : i32
      %dma_start3A_291 = tpu.memref_slice %arg12[%mul3A_280, %dma_start3A_290] : memref<10240x128xf32, #tpu.memory_space<vmem_shared>> -> memref<128x128xf32, #tpu.memory_space<vmem_shared>>
      tpu.enqueue_dma source(%dma_start3A_291 : memref<128x128xf32, #tpu.memory_space<vmem_shared>>) target(%dma_start3A_289 : memref<128x128xf32, #tpu.memory_space<hbm>>) target_semaphore(%run_scoped3A : memref<!tpu.dma_semaphore, #tpu.memory_space<semaphore_mem>>)
      %dma_wait3A = arith.constant 0 : i32
      %dma_wait3A_292 = tpu.memref_slice %arg5[%arg0, %mul3A_280, %dma_wait3A] : memref<2x10240x128xf32, #tpu.memory_space<hbm>> -> memref<1x128x128xf32, #tpu.memory_space<hbm>>
      %dma_wait3A_293 = tpu.memref_squeeze %dma_wait3A_292 : memref<1x128x128xf32, #tpu.memory_space<hbm>> -> memref<128x128xf32, #tpu.memory_space<hbm>>
      %dma_wait3A_294 = arith.constant 0 : i32
      %dma_wait3A_295 = tpu.memref_slice %arg12[%mul3A_280, %dma_wait3A_294] : memref<10240x128xf32, #tpu.memory_space<vmem_shared>> -> memref<128x128xf32, #tpu.memory_space<vmem_shared>>
      tpu.wait_dma2 semaphore(%run_scoped3A : memref<!tpu.dma_semaphore, #tpu.memory_space<semaphore_mem>>) src(%dma_wait3A_295 : memref<128x128xf32, #tpu.memory_space<vmem_shared>>) dst(%dma_wait3A_293 : memref<128x128xf32, #tpu.memory_space<hbm>>)
      tpu.yield
    }) : () -> ()
    %mul3A_281 = arith.constant 5 : i32
    %mul3A_282 = arith.muli %arg1, %mul3A_281 : i32
    %add3A_283 = arith.constant 4 : i32
    %add3A_284 = arith.addi %mul3A_282, %add3A_283 : i32
    %mul3A_285 = arith.constant 128 : i32
    %mul3A_286 = arith.muli %add3A_284, %mul3A_285 : i32
    "tpu.region"() ({
      %run_scoped3A = tpu.sem_alloc : memref<!tpu.dma_semaphore, #tpu.memory_space<semaphore_mem>>
      %dma_start3A_287 = arith.constant 0 : i32
      %dma_start3A_288 = tpu.memref_slice %arg5[%arg0, %mul3A_286, %dma_start3A_287] : memref<2x10240x128xf32, #tpu.memory_space<hbm>> -> memref<1x128x128xf32, #tpu.memory_space<hbm>>
      %dma_start3A_289 = tpu.memref_squeeze %dma_start3A_288 : memref<1x128x128xf32, #tpu.memory_space<hbm>> -> memref<128x128xf32, #tpu.memory_space<hbm>>
      %dma_start3A_290 = arith.constant 0 : i32
      %dma_start3A_291 = tpu.memref_slice %arg12[%mul3A_286, %dma_start3A_290] : memref<10240x128xf32, #tpu.memory_space<vmem_shared>> -> memref<128x128xf32, #tpu.memory_space<vmem_shared>>
      tpu.enqueue_dma source(%dma_start3A_291 : memref<128x128xf32, #tpu.memory_space<vmem_shared>>) target(%dma_start3A_289 : memref<128x128xf32, #tpu.memory_space<hbm>>) target_semaphore(%run_scoped3A : memref<!tpu.dma_semaphore, #tpu.memory_space<semaphore_mem>>)
      %dma_wait3A = arith.constant 0 : i32
      %dma_wait3A_292 = tpu.memref_slice %arg5[%arg0, %mul3A_286, %dma_wait3A] : memref<2x10240x128xf32, #tpu.memory_space<hbm>> -> memref<1x128x128xf32, #tpu.memory_space<hbm>>
      %dma_wait3A_293 = tpu.memref_squeeze %dma_wait3A_292 : memref<1x128x128xf32, #tpu.memory_space<hbm>> -> memref<128x128xf32, #tpu.memory_space<hbm>>
      %dma_wait3A_294 = arith.constant 0 : i32
      %dma_wait3A_295 = tpu.memref_slice %arg12[%mul3A_286, %dma_wait3A_294] : memref<10240x128xf32, #tpu.memory_space<vmem_shared>> -> memref<128x128xf32, #tpu.memory_space<vmem_shared>>
      tpu.wait_dma2 semaphore(%run_scoped3A : memref<!tpu.dma_semaphore, #tpu.memory_space<semaphore_mem>>) src(%dma_wait3A_295 : memref<128x128xf32, #tpu.memory_space<vmem_shared>>) dst(%dma_wait3A_293 : memref<128x128xf32, #tpu.memory_space<hbm>>)
      tpu.yield
    }) : () -> ()
    return
  }
}

</mosaic_0001>

<sc_bundles>
// kernel: _sc_scatter.3.cloned.1.call-start
scs
__scs_entry_jumppad:
0x0: {  	(pc) =	sbr.rel $0x88, $3  }
0x1: {  	(tag) =	ssettag $0x0;
	lr =	simm.s32 $0x1  }
0x2: {  	[smem:$0x3F9F] =	sst lr;
	_ =	strace $0xD0000000  }
0x3: {  	_ = 	snop  }
0x4: {  	_ = 	snop  }
0x5: {  	_ = 	snop  }
0x6: {  	_ = 	snop  }
0x7: {  	_ = 	snop  }
__scs_overlays_trampoline_lowered:
0x8: {  	[smem:$0x3FAE] =	sst s0  }
0x9: {  	[smem:$0x3FAF] =	sst s1  }
0xa: {  	[smem:$0x3FB0] =	sst s2  }
0xb: {  	[smem:$0x3FB1] =	sst s3  }
0xc: {  	[smem:$0x3FB2] =	sst s4  }
0xd: {  	[smem:$0x3FB3] =	sst s5  }
0xe: {  	[smem:$0x3FB4] =	sst s6  }
0xf: {  	[smem:$0x3FB5] =	sst s7  }
0x10: {  	[smem:$0x3FB6] =	sst s8  }
0x11: {  	[smem:$0x3FB7] =	sst s9;
	s0 =	simm.s32 @!p0 $0x0  }
0x12: {  	s1 =	sld [smem:$0x3F9D];
	s0 =	simm.s32 @p0 $0x1  }
0x13: {  	[smem:$0x3FB8] =	sst s0;
	s0 =	simm.s32 @!p1 $0x0  }
0x14: {  	s2 =	sld [smem:$0x3F9C];
	s0 =	simm.s32 @p1 $0x1  }
0x15: {  	[smem:$0x3FB9] =	sst s0;
	s0 =	simm.s32 @!p2 $0x0  }
0x16: {  	s3 =	sld [smem:$0x3FDB];
	s0 =	simm.s32 @p2 $0x1  }
0x17: {  	s4 =	simm.s32 $0x1BF5;
	[smem:$0x3FBB] =	sst s0  }
0x18: {  	s0 =	sld [smem:$0x3F9E];
	_ =	swait.ge [sflag:s4], $0x0  }
0x19: {  	s7 =	sld [smem:$0x3F9F]  }
0x1a: {  	s8 =	sadd.s32 $0xFFFFE003, lr  }
0x1b: {  	s9 =	sadd.s32 $0xFFFFFEF7, lr;
	s5 =	simm.s32 $0xFFFFFFFF;
	p2 =	slt.u32 s8, $0xFFFFF086  }
0x1c: {  	p1 =	slt.u32 s9, $0xF7A;
	s5 =	simm.s32 @!p2 $0x0  }
0x1d: {  	s5 =	simm.s32 @p1 $0x1;
	p0 =	seq.s32 s7, s2  }
0x1e: {  	s7 =	smul.u32 @!p0 $0xF7A, s2;
	p2 =	seq.s32 @!p0 s5, $0x0  }
0x1f: {  	s9 =	smul.u32 $0xF7A, s1;
	s8 =	simm.s32 @!p0 $0x1BF5;
	p2 =	por !p2, p0  }
0x20: {  	[sflag:s8] =	ssyncset.s32 @!p0 $0xFFFFF086;
	s6 =	sadd.s32 @!p0 s3, s7;
	s7 =	simm.s32 @!p0 $0x108  }
0x21: {  	s3 =	sadd.s32 s3, s9;
	s6 =	sadd.s32 @!p0 $0x88, s6;
	s7 =	simm.s32 @p2 $0x1082  }
0x22: {  	[simem:s7], [sflag:s8] =	dma.local @!p0 [hbm:s6], $0xF7A  }
0x23: {  	s9 =	sor.u32 $0xD0000000, s2;
	s6 =	simm.s32 $0x108;
	_ =	swait.ge @!p0 [sflag:s8], $0x0  }
0x24: {  	s3 =	sadd.s32 $0x88, s3;
	s6 =	simm.s32 @!p1 $0x1082;
	[sflag:s4] =	ssyncset.s32 $0xFFFFF086  }
0x25: {  	[simem:s6], [sflag:s4] =	dma.local [hbm:s3], $0xF7A  }
0x26: {  	[smem:$0x3F9F] =	sst s1;
	(tag) =	ssettag s2;
	_ =	strace s9  }
0x27: {  	s1 =	sld [smem:$0x3FAF]  }
0x28: {  	s2 =	sld [smem:$0x3FB0]  }
0x29: {  	s4 =	sld [smem:$0x3FB2]  }
0x2a: {  	p0 =	seq.s32 s5, $0x0;
	s5 =	sld [smem:$0x3FB3]  }
0x2b: {  	s6 =	sld [smem:$0x3FB4]  }
0x2c: {  	s7 =	sld [smem:$0x3FB5]  }
0x2d: {  	s3 =	simm.s32 $0x108;
	s8 =	sld [smem:$0x3FB6]  }
0x2e: {  	s3 =	simm.s32 @!p0 $0x1082;
	s9 =	sld [smem:$0x3FB7]  }
0x2f: {  	lr =	sadd.s32 s0, s3;
	s0 =	sld [smem:$0x3FAE]  }
0x30: {  	s3 =	sld [smem:$0x3FB1]  }
0x31: {  	[smem:$0x3FBA] =	sst s10  }
0x32: {  	s10 =	sld [smem:$0x3FB8];
	_ =	sdelay $0x3  }
0x33: {  	p0 =	seq.s32 s10, $0x1;
	s10 =	sld [smem:$0x3FBA];
	_ =	sdelay $0x3  }
0x34: {  	[smem:$0x3FBA] =	sst s10  }
0x35: {  	s10 =	sld [smem:$0x3FB9];
	_ =	sdelay $0x3  }
0x36: {  	p1 =	seq.s32 s10, $0x1;
	s10 =	sld [smem:$0x3FBA];
	_ =	sdelay $0x3  }
0x37: {  	[smem:$0x3FBA] =	sst s10  }
0x38: {  	s10 =	sld [smem:$0x3FBB]  }
0x39: {  	_ = 	snop;
	(pc) =	sbr.ind lr, $3  }
0x3a: {  	_ = 	snop  }
0x3b: {  	_ = 	snop  }
0x3c: {  	p2 =	seq.s32 s10, $0x1;
	s10 =	sld [smem:$0x3FBA]  }
0x3d: {  	_ =	shalt  }
0x3e: {  	_ =	shalt  }
0x3f: {  	_ =	shalt  }
0x40: {  	_ =	shalt  }
0x41: {  	_ =	shalt  }
0x42: {  	_ =	shalt  }
0x43: {  	_ =	shalt  }
0x44: {  	_ =	shalt  }
0x45: {  	_ =	shalt  }
0x46: {  	_ =	shalt  }
0x47: {  	_ =	shalt  }
0x48: {  	_ =	shalt  }
0x49: {  	_ =	shalt  }
0x4a: {  	_ =	shalt  }
0x4b: {  	_ =	shalt  }
0x4c: {  	_ =	shalt  }
0x4d: {  	_ =	shalt  }
0x4e: {  	_ =	shalt  }
0x4f: {  	_ =	shalt  }
0x50: {  	_ =	shalt  }
0x51: {  	_ =	shalt  }
0x52: {  	_ =	shalt  }
0x53: {  	_ =	shalt  }
0x54: {  	_ =	shalt  }
0x55: {  	_ =	shalt  }
0x56: {  	_ =	shalt  }
0x57: {  	_ =	shalt  }
0x58: {  	_ =	shalt  }
0x59: {  	_ =	shalt  }
0x5a: {  	_ =	shalt  }
0x5b: {  	_ =	shalt  }
0x5c: {  	_ =	shalt  }
0x5d: {  	_ =	shalt  }
0x5e: {  	_ =	shalt  }
0x5f: {  	_ =	shalt  }
0x60: {  	_ =	shalt  }
0x61: {  	_ =	shalt  }
0x62: {  	_ =	shalt  }
0x63: {  	_ =	shalt  }
0x64: {  	_ =	shalt  }
0x65: {  	_ =	shalt  }
0x66: {  	_ =	shalt  }
0x67: {  	_ =	shalt  }
0x68: {  	_ =	shalt  }
0x69: {  	_ =	shalt  }
0x6a: {  	_ =	shalt  }
0x6b: {  	_ =	shalt  }
0x6c: {  	_ =	shalt  }
0x6d: {  	_ =	shalt  }
0x6e: {  	_ =	shalt  }
0x6f: {  	_ =	shalt  }
0x70: {  	_ =	shalt  }
0x71: {  	_ =	shalt  }
0x72: {  	_ =	shalt  }
0x73: {  	_ =	shalt  }
0x74: {  	_ =	shalt  }
0x75: {  	_ =	shalt  }
0x76: {  	_ =	shalt  }
0x77: {  	_ =	shalt  }
0x78: {  	_ =	shalt  }
0x79: {  	_ =	shalt  }
0x7a: {  	_ =	shalt  }
0x7b: {  	_ =	shalt  }
0x7c: {  	_ =	shalt  }
0x7d: {  	_ =	shalt  }
0x7e: {  	_ =	shalt  }
0x7f: {  	_ =	shalt  }
0x80: {  	_ =	shalt  }
0x81: {  	_ =	shalt  }
0x82: {  	_ =	shalt  }
0x83: {  	_ =	shalt  }
0x84: {  	_ =	shalt  }
0x85: {  	_ =	shalt  }
0x86: {  	_ =	shalt  }
0x87: {  	_ =	shalt  }
.Lfunc_end0:
.L_simem_size_0:
called_computation_lowered:
.L_overlay_start_0:
0x88: {  	s2 =	sld [smem:$0x3FD9]  }
0x89: {  	s3 =	sld [smem:$0x3FFE];
	_ =	sdelay $0x1  }
0x8a: {  	s1 =	srdreg.scid  }
0x8b: {  	s0 =	sand.u32 $0x1, s1  }
0x8c: {  	s17 =	sshll.u32 s0, $0xA;
	s2 =	sadd.s32 s3, s2  }
0x8d: {  	s2 =	sadd.s32 s2, s17  }
0x8e: {  	[smem:$0x3FC6] =	sst s2  }
0x8f: {  	_ = 	snop  }
0x90: {  	s2 =	sld [smem:$0x3FC9]  }
0x91: {  	s18 =	sld [smem:$0x3FC8]  }
0x92: {  	s4 =	sld [smem:$0x3FD0];
	(tm) =	ssettm $0x1  }
0x93: {  	s5 =	sld [smem:$0x3FFB];
	_ =	sdelay $0x3  }
0x94: {  	_ =	strace s5  }
0x95: {  	s5 =	sld [smem:$0x3FFC];
	_ =	sdelay $0x3  }
0x96: {  	_ =	strace s5  }
0x97: {  	s5 =	sld [smem:$0x3FFD];
	_ =	sdelay $0x3  }
0x98: {  	_ =	strace s5  }
0x99: {  	_ =	strace $0x8FFFFFFF  }
0x9a: {  	s19 =	sld [smem:$0x3FDB];
	_ =	sdelay $0x1  }
0x9b: {  	s6 =	simm.s32 $_scs_section_size  }
0x9c: {  	s7 =	simm.s32 $_size__tile_overlayer_lowered;
	s8 =	simm.s32 $_tile_overlayer_lowered  }
0x9d: {  	s22 =	simm.s32 $0x1BFF;
	s21 =	sshll.u32 s8, $0x1;
	s5 =	sadd.s32 s6, s19  }
0x9e: {  	s9 =	simm.s32 $0x0;
	s20 =	sshll.u32 s7, $0x1;
	s7 =	sadd.s32 s21, s5  }
0x9f: {  	[timem:s9], [sflag:s22] =	dma.local [hbm:s7], s20  }
0xa0: {  	_ =	swait.ge [sflag:s22], s20  }
0xa1: {  	s6 =	ssub.s32 $0x0, s20;
	[sflag:s22] =	ssyncset.done $0x0  }
0xa2: {  	[sflag:s22] =	ssyncadd.s32 s6;
	_ =	sdelay $0x1  }
0xa3: {  	s23 =	simm.s32 $0x1B8B  }
0xa4: {  	_ =	swait.ge [sflag:s23], $0x1  }
0xa5: {  	[sflag:s23] =	ssyncset.done $0x0  }
0xa6: {  	s25 =	simm.s32 $0x1B8E;
	s24 =	sld [smem:$0x3FFE];
	[sflag:s23] =	ssyncadd.s32 $0xFFFFFFFF  }
0xa7: {  	s26 =	simm.s32 $execute0_lowered;
	[smem:$0x3FD2] =	sst s25  }
0xa8: {  	s7 =	sshll.u32 s26, $0x1;
	_ =	strace $0x80000046;
	[dreg:$0x1] =	wrdreg $0xFFFFFFFF  }
0xa9: {  	s28 =	simm.s32 $_size_execute0_lowered;
	s5 =	sadd.s32 s5, s7;
	[dreg:$0x0] =	wrdreg $0x0  }
0xaa: {  	s7 =	sshll.u32 s28, $0x1;
	[dreg:$0x2] =	wrdreg s5  }
0xab: {  	[dreg:$0x3] =	wrdreg s7  }
0xac: {  	[dreg:$0x4] =	wrdreg $0xC0  }
0xad: {  	_ =	task [dreg:s9], $0x5FFFF  }
0xae: {  	[dreg:$0x1] =	wrdreg $0xFFFFFFFF  }
0xaf: {  	[dreg:$0x0] =	wrdreg $0x60  }
0xb0: {  	[dreg:$0x2] =	wrdreg s2  }
0xb1: {  	[dreg:$0x3] =	wrdreg s18  }
0xb2: {  	[dreg:$0x4] =	wrdreg s24  }
0xb3: {  	[dreg:$0x5] =	wrdreg s4  }
0xb4: {  	[dreg:$0x6] =	wrdreg $0xA9800  }
0xb5: {  	[dreg:$0x7] =	wrdreg $0x9  }
0xb6: {  	_ =	task.clear_ibuf [dreg:s9], $0x8FFFF;
	_ =	strace $0x90000046  }
0xb7: {  	s29 =	simm.s32 $0x9;
	_ =	strace $0x80000048  }
0xb8: {  	_ =	swait.ge [sflag:s29], $0x1  }
0xb9: {  	[sflag:s29] =	ssyncadd.s32 $0xFFFFFFFF  }
0xba: {  	_ =	strace $0x90000048  }
0xbb: {  	_ =	sfence  }
0xbc: {  	s30 =	sld [smem:$0x0];
	_ =	sdelay $0x2  }
0xbd: {  	s31 =	sshll.u32 s1, $0xD;
	s1 =	sshrl.u32 s1, $0x2  }
0xbe: {  	s3 =	sand.u32 $0x4000, s31;
	s1 =	sadd.s32 s1, s30  }
0xbf: {  	s0 =	sor.u32 s3, s0;
	s1 =	sshll.u32 s1, $0x11  }
0xc0: {  	s0 =	sor.u32 s1, s0  }
0xc1: {  	s0 =	sadd.s32 $0x8F2B, s0  }
0xc2: {  	[sflag:s0] =	ssyncadd.remote.s32 $0x1  }
0xc3: {  	_ =	sfence.sel $0xFFFF  }
0xc4: {  	[dreg:$0x0] =	wrdreg $0xFFFFFFFF;
	(pc) =	sbr.abs _section_cstart, $3  }
0xc5: {  	[dreg:$0x1] =	wrdreg $0xFFFFFFFF  }
0xc6: {  	_ =	task.clear_ibuf [dreg:s9], $0x2FFFF;
	_ =	strace $0x9FFFFFFF  }
0xc7: {  	(tm) =	ssettm $0x7FFFFFFF  }
tec
execute0_lowered:
.L_overlay_start_1:
0x0: {  	(tag) =	ssettag $0x1  }
0x1: {  	s1 =	rddreg [dreg:$0x0]  }
0x2: {  	s6 =	rddreg [dreg:$0x1]  }
0x3: {  	s5 =	rddreg [dreg:$0x2]  }
0x4: {  	s16 =	rddreg [dreg:$0x3]  }
0x5: {  	s3 =	rddreg [dreg:$0x4]  }
0x6: {  	s4 =	simm.s32 $0x0;
	s7 =	srdreg.scid;
	s0 =	stileid.u32  }
0x7: {  	s20 =	simm.s32 $0x2980;
	s21 =	simm.s32 $0x80;
	s22 =	simm.s32 $0x2800  }
0x8: {  	s23 =	simm.s32 $0x2880;
	s24 =	simm.s32 $0x6980;
	s28 =	simm.s32 $0x2  }
0x9: {  	s29 =	simm.s32 $0x0;
	[smem:$0x7FF] =	sst s4;
	s8 =	sand.u32 $0x1, s7  }
0xa: {  	s25 =	sshll.u32 s0, $0x1;
	s9 =	smul.u32 $0x50000, s0;
	s5 =	sadd.s32 $0x400, s5  }
0xb: {  	s12 =	smul.u32 $0x14000, s0;
	_ =	strace $0x80000047;
	s7 =	sor.u32 s8, s25  }
0xc: {  	s10 =	ssub.s32 $0x2, s8;
	s15 =	smul.u32 $0x140000, s8;
	s25 =	simm.s32 $0x1  }
0xd: {  	s7 =	smul.u32 $0x500, s7;
	s11 =	sshrl.u32 s10, $0x1;
	s9 =	sshrl.u32 s9, $0x2  }
0xe: {  	s26 =	sadd.s32 $0x4000, s12;
	s14 =	sadd.s32 $0x8000, s12;
	s18 =	sadd.s32 $0xC000, s12  }
0xf: {  	s19 =	sadd.s32 $0x10000, s12;
	s17 =	ssub.s32 s10, s11;
	s8 =	sadd.s32 s26, s3  }
0x10: {  	s10 =	sadd.s32 s18, s3;
	s13 =	sadd.s32 s12, s15;
	s11 =	sadd.s32 s15, s26  }
0x11: {  	s18 =	sadd.s32 s15, s18;
	s26 =	simm.s32 $0x2900;
	s6 =	sadd.s32 s6, s7  }
0x12: {  	s7 =	sadd.s32 s9, s3;
	s9 =	sadd.s32 s14, s3;
	s30 =	sshrl.u32 s13, $0x3  }
.Ltmp0:
0x13: {  	s31 =	sshrl.u32 s11, $0x3;
	s11 =	sadd.s32 s19, s3;
	(pc) =	sbr.rel .LBB2_1-.Ltmp0, $4  }
0x14: {  	s14 =	sadd.s32 s15, s14;
	s15 =	sadd.s32 s15, s19;
	s18 =	sshrl.u32 s18, $0x3  }
0x15: {  	s17 =	smax.u32 s17, $0x1;
	s12 =	sadd.s32 s16, s30;
	s13 =	sadd.s32 s16, s31  }
0x16: {  	s14 =	sshrl.u32 s14, $0x3;
	s19 =	sshrl.u32 s15, $0x3;
	s15 =	sadd.s32 s16, s18  }
0x17: {  	v0 =	vimm.f32 $0.0e+00;
	s14 =	sadd.s32 s16, s14;
	s16 =	sadd.s32 s16, s19;
	s19 =	simm.s32 $0x3  }
.LBB2_6:
0x18: {  	s0 =	stileid.u32  }
0x19: {  	s0 =	sshll.u32 s0, $0x6  }
0x1a: {  	[bflag:$0x0] =	sbarrier.arrive $0xFFFF;
	s2 =	sshrl.u32 s7, $0x3;
	s0 =	sor.u32 $0x1C03, s0  }
0x1b: {  	[hbm:s12], [sflag:s0] =	dma.local [spmem:s2], $0x800  }
0x1c: {  	_ =	swait.ge [sflag:s19], $0x800  }
0x1d: {  	[sflag:s19] =	ssyncset.done $0x0  }
0x1e: {  	s31 =	sshrl.u32 s8, $0x3;
	[sflag:s19] =	ssyncadd.s32 $0xFFFFF800  }
0x1f: {  	[hbm:s13], [sflag:s0] =	dma.local [spmem:s31], $0x800  }
0x20: {  	_ =	swait.ge [sflag:s19], $0x800  }
0x21: {  	[sflag:s19] =	ssyncset.done $0x0  }
0x22: {  	s18 =	sshrl.u32 s9, $0x3;
	[sflag:s19] =	ssyncadd.s32 $0xFFFFF800  }
0x23: {  	[hbm:s14], [sflag:s0] =	dma.local [spmem:s18], $0x800  }
0x24: {  	_ =	swait.ge [sflag:s19], $0x800  }
0x25: {  	[sflag:s19] =	ssyncset.done $0x0  }
0x26: {  	s30 =	sshrl.u32 s10, $0x3;
	[sflag:s19] =	ssyncadd.s32 $0xFFFFF800  }
0x27: {  	[hbm:s15], [sflag:s0] =	dma.local [spmem:s30], $0x800  }
0x28: {  	s29 =	sadd.s32 $0x1, s29;
	_ =	swait.ge [sflag:s19], $0x800  }
0x29: {  	p0 =	sne.s32 s29, s17;
	[sflag:s19] =	ssyncset.done $0x0  }
.Ltmp1:
0x2a: {  	s31 =	sshrl.u32 s11, $0x3;
	[sflag:s19] =	ssyncadd.s32 $0xFFFFF800;
	(pc) =	sbr.rel @!p0 .LBB2_7-.Ltmp1, $4  }
0x2b: {  	[hbm:s16], [sflag:s0] =	dma.local [spmem:s31], $0x800  }
0x2c: {  	_ =	swait.ge [sflag:s19], $0x800  }
0x2d: {  	[sflag:s19] =	ssyncset.done $0x0  }
0x2e: {  	[sflag:s19] =	ssyncadd.s32 $0xFFFFF800  }
.LBB2_1:
0x2f: {  	s0 =	simm.s32 $0x1E980  }
0x30: {  	[tilespmem:s0], [sflag:$0x3] =	stream.linear.gather [hbm4b:s5+s4], $0x1, $0x38;
	[tilespmem:$0x1EA00] =	vst v63  }
0x31: {  	_ =	swait.ge [sflag:s19], $0x1  }
0x32: {  	[sflag:s19] =	ssyncset.done $0x0  }
0x33: {  	[sflag:s19] =	ssyncadd.s32 $0xFFFFFFFF  }
0x34: {  	v1 =	vld [tilespmem:$0x1E980];
	[tilespmem:s4], [sflag:$0x3] =	stream.linear.gather [hbm4b:s6+s4], $0x2800, $0x38  }
0x35: {  	_ =	swait.ge [sflag:s19], $0x2800  }
0x36: {  	[sflag:s19] =	ssyncset.done $0x0  }
0x37: {  	s30 =	simm.s32 $0x0;
	s31 =	simm.s32 $0x200;
	[sflag:s19] =	ssyncadd.s32 $0xFFFFD800  }
.LBB2_2:
0x38: {  	p0 =	sne.s32 s31, $0xFE00;
	[tilespmem:s30+$0x29F0] =	vst v0  }
0x39: {  	[tilespmem:s30+$0x2980] =	vst v0  }
0x3a: {  	[tilespmem:s30+$0x2990] =	vst v0  }
.Ltmp2:
0x3b: {  	[tilespmem:s30+$0x29A0] =	vst v0;
	(pc) =	sbr.rel @p0 .LBB2_2-.Ltmp2, $4  }
0x3c: {  	[tilespmem:s30+$0x29B0] =	vst v0  }
0x3d: {  	[tilespmem:s30+$0x29C0] =	vst v0  }
0x3e: {  	[tilespmem:s30+$0x29D0] =	vst v0  }
0x3f: {  	[tilespmem:s30+$0x29E0] =	vst v0;
	s30 =	sshra.s32 s31, $0x2;
	s31 =	sadd.s32 $0x200, s31  }
0x40: {  	[tilespmem:s30+$0x29F0] =	vst v0  }
0x41: {  	[tilespmem:s30+$0x2980] =	vst v0  }
0x42: {  	[tilespmem:s30+$0x2990] =	vst v0  }
0x43: {  	[tilespmem:s30+$0x29A0] =	vst v0  }
0x44: {  	[tilespmem:s30+$0x29B0] =	vst v0  }
0x45: {  	[tilespmem:s30+$0x29C0] =	vst v0  }
0x46: {  	[tilespmem:s30+$0x29D0] =	vst v0  }
0x47: {  	[tilespmem:s30+$0x29E0] =	vst v0  }
0x48: {  	[spmem:s7] =	stream.linear.scatter [tilespmem:s20], [sflag:$0x3], $0x4000, $0x38;
	[tilespmem:$0x1EA00] =	vst v63  }
0x49: {  	_ =	swait.ge [sflag:s19], $0x4000  }
0x4a: {  	[sflag:s19] =	ssyncset.done $0x0  }
0x4b: {  	[sflag:s19] =	ssyncadd.s32 $0xFFFFC000  }
0x4c: {  	[spmem:s8] =	stream.linear.scatter [tilespmem:s20], [sflag:$0x3], $0x4000, $0x38;
	[tilespmem:$0x1EA00] =	vst v63  }
0x4d: {  	_ =	swait.ge [sflag:s19], $0x4000  }
0x4e: {  	[sflag:s19] =	ssyncset.done $0x0  }
0x4f: {  	[sflag:s19] =	ssyncadd.s32 $0xFFFFC000  }
0x50: {  	[spmem:s9] =	stream.linear.scatter [tilespmem:s20], [sflag:$0x3], $0x4000, $0x38;
	[tilespmem:$0x1EA00] =	vst v63  }
0x51: {  	_ =	swait.ge [sflag:s19], $0x4000  }
0x52: {  	[sflag:s19] =	ssyncset.done $0x0  }
0x53: {  	[sflag:s19] =	ssyncadd.s32 $0xFFFFC000  }
0x54: {  	[spmem:s10] =	stream.linear.scatter [tilespmem:s20], [sflag:$0x3], $0x4000, $0x38;
	[tilespmem:$0x1EA00] =	vst v63  }
0x55: {  	_ =	swait.ge [sflag:s19], $0x4000  }
0x56: {  	[sflag:s19] =	ssyncset.done $0x0  }
0x57: {  	[sflag:s19] =	ssyncadd.s32 $0xFFFFC000  }
0x58: {  	[spmem:s11] =	stream.linear.scatter [tilespmem:s20], [sflag:$0x3], $0x4000, $0x38;
	[tilespmem:$0x1EA00] =	vst v63  }
0x59: {  	_ =	swait.ge [sflag:s19], $0x4000  }
0x5a: {  	[sflag:s19] =	ssyncset.done $0x0  }
0x5b: {  	[sflag:s19] =	ssyncadd.s32 $0xFFFFC000  }
0x5c: {  	[bflag:$0x0] =	sbarrier.arrive $0xFFFF  }
0x5d: {  	v2 =	vld [tilespmem:$0x0]  }
0x5e: {  	v3 =	vld [tilespmem:$0x10]  }
0x5f: {  	v4 =	vld [tilespmem:$0x20]  }
0x60: {  	v1 =	vbroadcast v1, $0x0;
	v5 =	vld [tilespmem:$0x30]  }
0x61: {  	v6 =	vld [tilespmem:$0x40]  }
0x62: {  	v7 =	vld [tilespmem:$0x50];
	v2 =	vand.u32 v1, v2  }
0x63: {  	[tilespmem:$0x2800] =	vst v2;
	v2 =	vand.u32 v1, v3;
	v3 =	vld [tilespmem:$0x60]  }
0x64: {  	v58 =	vld [tilespmem:$0x70];
	[tilespmem:$0x2810] =	vst v2;
	v2 =	vand.u32 v1, v4  }
0x65: {  	[tilespmem:$0x2820] =	vst v2;
	v2 =	vand.u32 v1, v5  }
0x66: {  	[tilespmem:$0x2830] =	vst v2;
	v2 =	vand.u32 v1, v6  }
0x67: {  	[tilespmem:$0x2840] =	vst v2;
	v2 =	vand.u32 v1, v7  }
0x68: {  	[tilespmem:$0x2850] =	vst v2;
	v2 =	vand.u32 v1, v3  }
0x69: {  	[tilespmem:$0x2860] =	vst v2;
	v2 =	vand.u32 v1, v58  }
0x6a: {  	[tilespmem:$0x2870] =	vst v2  }
0x6b: {  	[tilespmem:s20], [sflag:$0x1] =	stream.indirect.gather [hbm4b:s1+s21], $0x80, s22, s21, $0xb8;
	[tilespmem:$0x1EA00] =	vst v63  }
0x6c: {  	v2 =	vld [tilespmem:$0x80]  }
0x6d: {  	v3 =	vld [tilespmem:$0x90]  }
0x6e: {  	v59 =	vld [tilespmem:$0xA0]  }
0x6f: {  	v60 =	vld [tilespmem:$0xB0]  }
0x70: {  	v61 =	vld [tilespmem:$0xC0]  }
0x71: {  	v62 =	vld [tilespmem:$0xD0];
	v2 =	vand.u32 v1, v2  }
0x72: {  	[tilespmem:$0x2880] =	vst v2;
	v2 =	vand.u32 v1, v3;
	v3 =	vld [tilespmem:$0xE0]  }
0x73: {  	v63 =	vld [tilespmem:$0xF0];
	[tilespmem:$0x2890] =	vst v2;
	v2 =	vand.u32 v1, v59  }
0x74: {  	[tilespmem:$0x28A0] =	vst v2;
	v2 =	vand.u32 v1, v60  }
0x75: {  	[tilespmem:$0x28B0] =	vst v2;
	v2 =	vand.u32 v1, v61  }
0x76: {  	[tilespmem:$0x28C0] =	vst v2;
	v2 =	vand.u32 v1, v62  }
0x77: {  	[tilespmem:$0x28D0] =	vst v2;
	v2 =	vand.u32 v1, v3  }
0x78: {  	[tilespmem:$0x28E0] =	vst v2;
	v2 =	vand.u32 v1, v63  }
0x79: {  	s30 =	simm.s32 $0x7C0;
	[tilespmem:$0x28F0] =	vst v2  }
0x7a: {  	[tilespmem:s24], [sflag:$0x2] =	stream.indirect.gather [hbm4b:s1+s21], $0x80, s23, s21, $0xb8;
	[tilespmem:$0x1EA00] =	vst v63  }
.LBB2_4:
0x7b: {  	s31 =	sshra.s32 s30, $0x2  }
0x7c: {  	v2 =	vld [tilespmem:s31+$0xFFFFFE10];
	_ =	sdelay $0x4  }
0x7d: {  	v2 =	vshrl.u32 v2, $0xE  }
0x7e: {  	v2 =	vand.u32 v1, v2  }
0x7f: {  	[tilespmem:$0x2900] =	vst v2  }
0x80: {  	v2 =	vld [tilespmem:s31+$0xFFFFFE20];
	_ =	sdelay $0x4  }
0x81: {  	v2 =	vshrl.u32 v2, $0xE  }
0x82: {  	v2 =	vand.u32 v1, v2  }
0x83: {  	[tilespmem:$0x2910] =	vst v2  }
0x84: {  	v2 =	vld [tilespmem:s31+$0xFFFFFE30];
	_ =	sdelay $0x4  }
0x85: {  	v2 =	vshrl.u32 v2, $0xE  }
0x86: {  	v2 =	vand.u32 v1, v2  }
0x87: {  	[tilespmem:$0x2920] =	vst v2  }
0x88: {  	v2 =	vld [tilespmem:s31+$0xFFFFFE40];
	_ =	sdelay $0x4  }
0x89: {  	v2 =	vshrl.u32 v2, $0xE  }
0x8a: {  	v2 =	vand.u32 v1, v2  }
0x8b: {  	[tilespmem:$0x2930] =	vst v2  }
0x8c: {  	v2 =	vld [tilespmem:s31+$0xFFFFFE50];
	_ =	sdelay $0x4  }
0x8d: {  	v2 =	vshrl.u32 v2, $0xE  }
0x8e: {  	v2 =	vand.u32 v1, v2  }
0x8f: {  	[tilespmem:$0x2940] =	vst v2  }
0x90: {  	v2 =	vld [tilespmem:s31+$0xFFFFFE60];
	_ =	sdelay $0x4  }
0x91: {  	v2 =	vshrl.u32 v2, $0xE  }
0x92: {  	v2 =	vand.u32 v1, v2  }
0x93: {  	[tilespmem:$0x2950] =	vst v2  }
0x94: {  	v2 =	vld [tilespmem:s31+$0xFFFFFE70];
	_ =	sdelay $0x4  }
0x95: {  	v2 =	vshrl.u32 v2, $0xE  }
0x96: {  	v2 =	vand.u32 v1, v2  }
0x97: {  	[tilespmem:$0x2960] =	vst v2  }
0x98: {  	v2 =	vld [tilespmem:s31+$0xFFFFFE80];
	_ =	sdelay $0x4  }
0x99: {  	v2 =	vshrl.u32 v2, $0xE  }
0x9a: {  	v2 =	vand.u32 v1, v2  }
0x9b: {  	[tilespmem:$0x2970] =	vst v2  }
0x9c: {  	_ =	swait.ge [sflag:s25], $0x4000  }
0x9d: {  	[sflag:s25] =	ssyncset.done $0x0  }
0x9e: {  	[sflag:s25] =	ssyncadd.s32 $0xFFFFC000  }
0x9f: {  	[spmem:s3] =	stream.indirect.scatter.add.f32 [tilespmem:s20], [sflag:$0x3], $0x80, s26, s21, $0xb8;
	[tilespmem:$0x1EA00] =	vst v63  }
0xa0: {  	_ =	swait.ge [sflag:s19], $0x4000  }
0xa1: {  	p0 =	seq.s32 s30, $0xA3C0;
	[sflag:s19] =	ssyncset.done $0x0  }
0xa2: {  	s0 =	sshra.s32 @!p0 s30, $0x2;
	[sflag:s19] =	ssyncadd.s32 $0xFFFFC000  }
0xa3: {  	v2 =	vld @!p0 [tilespmem:s0+$0xFFFFFF10];
	_ =	sdelay $0x4  }
0xa4: {  	v2 =	vand.u32 @!p0 v1, v2  }
0xa5: {  	[tilespmem:$0x2800] =	vst @!p0 v2  }
0xa6: {  	v2 =	vld @!p0 [tilespmem:s0+$0xFFFFFF20];
	_ =	sdelay $0x4  }
0xa7: {  	v2 =	vand.u32 @!p0 v1, v2  }
0xa8: {  	[tilespmem:$0x2810] =	vst @!p0 v2  }
0xa9: {  	v2 =	vld @!p0 [tilespmem:s0+$0xFFFFFF30];
	_ =	sdelay $0x4  }
0xaa: {  	v2 =	vand.u32 @!p0 v1, v2  }
0xab: {  	[tilespmem:$0x2820] =	vst @!p0 v2  }
0xac: {  	v2 =	vld @!p0 [tilespmem:s0+$0xFFFFFF40];
	_ =	sdelay $0x4  }
0xad: {  	v2 =	vand.u32 @!p0 v1, v2  }
0xae: {  	[tilespmem:$0x2830] =	vst @!p0 v2  }
0xaf: {  	v2 =	vld @!p0 [tilespmem:s0+$0xFFFFFF50];
	_ =	sdelay $0x4  }
0xb0: {  	v2 =	vand.u32 @!p0 v1, v2  }
0xb1: {  	[tilespmem:$0x2840] =	vst @!p0 v2  }
0xb2: {  	v2 =	vld @!p0 [tilespmem:s0+$0xFFFFFF60];
	_ =	sdelay $0x4  }
0xb3: {  	v2 =	vand.u32 @!p0 v1, v2  }
0xb4: {  	[tilespmem:$0x2850] =	vst @!p0 v2  }
0xb5: {  	v2 =	vld @!p0 [tilespmem:s0+$0xFFFFFF70];
	_ =	sdelay $0x4  }
0xb6: {  	v2 =	vand.u32 @!p0 v1, v2  }
0xb7: {  	[tilespmem:$0x2860] =	vst @!p0 v2  }
0xb8: {  	v2 =	vld @!p0 [tilespmem:s0+$0xFFFFFF80];
	_ =	sdelay $0x4  }
0xb9: {  	v2 =	vand.u32 @!p0 v1, v2  }
0xba: {  	s2 =	simm.s32 @!p0 $0x2800;
	s18 =	simm.s32 @!p0 $0x2980;
	s0 =	simm.s32 @!p0 $0x80;
	[tilespmem:$0x2870] =	vst @!p0 v2  }
0xbb: {  	[tilespmem:s18], [sflag:$0x1] =	stream.indirect.gather @!p0 [hbm4b:s1+s0], $0x80, s2, s0, $0xb8;
	[tilespmem:$0x1EA00] =	vst v63  }
0xbc: {  	v2 =	vld [tilespmem:s31+$0xFFFFFE90];
	_ =	sdelay $0x4  }
0xbd: {  	v2 =	vshrl.u32 v2, $0xE  }
0xbe: {  	v2 =	vand.u32 v1, v2  }
0xbf: {  	[tilespmem:$0x2900] =	vst v2  }
0xc0: {  	v2 =	vld [tilespmem:s31+$0xFFFFFEA0];
	_ =	sdelay $0x4  }
0xc1: {  	v2 =	vshrl.u32 v2, $0xE  }
0xc2: {  	v2 =	vand.u32 v1, v2  }
0xc3: {  	[tilespmem:$0x2910] =	vst v2  }
0xc4: {  	v2 =	vld [tilespmem:s31+$0xFFFFFEB0];
	_ =	sdelay $0x4  }
0xc5: {  	v2 =	vshrl.u32 v2, $0xE  }
0xc6: {  	v2 =	vand.u32 v1, v2  }
0xc7: {  	[tilespmem:$0x2920] =	vst v2  }
0xc8: {  	v2 =	vld [tilespmem:s31+$0xFFFFFEC0];
	_ =	sdelay $0x4  }
0xc9: {  	v2 =	vshrl.u32 v2, $0xE  }
0xca: {  	v2 =	vand.u32 v1, v2  }
0xcb: {  	[tilespmem:$0x2930] =	vst v2  }
0xcc: {  	v2 =	vld [tilespmem:s31+$0xFFFFFED0];
	_ =	sdelay $0x4  }
0xcd: {  	v2 =	vshrl.u32 v2, $0xE  }
0xce: {  	v2 =	vand.u32 v1, v2  }
0xcf: {  	[tilespmem:$0x2940] =	vst v2  }
0xd0: {  	v2 =	vld [tilespmem:s31+$0xFFFFFEE0];
	_ =	sdelay $0x4  }
0xd1: {  	v2 =	vshrl.u32 v2, $0xE  }
0xd2: {  	v2 =	vand.u32 v1, v2  }
0xd3: {  	[tilespmem:$0x2950] =	vst v2  }
0xd4: {  	v2 =	vld [tilespmem:s31+$0xFFFFFEF0];
	_ =	sdelay $0x4  }
0xd5: {  	v2 =	vshrl.u32 v2, $0xE  }
0xd6: {  	v2 =	vand.u32 v1, v2  }
0xd7: {  	[tilespmem:$0x2960] =	vst v2  }
0xd8: {  	v2 =	vld [tilespmem:s31+$0xFFFFFF00];
	_ =	sdelay $0x4  }
0xd9: {  	v2 =	vshrl.u32 v2, $0xE  }
0xda: {  	v2 =	vand.u32 v1, v2  }
0xdb: {  	[tilespmem:$0x2970] =	vst v2  }
0xdc: {  	_ =	swait.ge [sflag:s28], $0x4000  }
0xdd: {  	[sflag:s28] =	ssyncset.done $0x0  }
.Ltmp3:
0xde: {  	[sflag:s28] =	ssyncadd.s32 $0xFFFFC000;
	(pc) =	sbr.rel @p0 .LBB2_6-.Ltmp3, $4  }
0xdf: {  	[spmem:s3] =	stream.indirect.scatter.add.f32 [tilespmem:s24], [sflag:$0x3], $0x80, s26, s21, $0xb8;
	[tilespmem:$0x1EA00] =	vst v63  }
0xe0: {  	_ =	swait.ge [sflag:s19], $0x4000  }
0xe1: {  	[sflag:s19] =	ssyncset.done $0x0  }
0xe2: {  	[sflag:s19] =	ssyncadd.s32 $0xFFFFC000  }
0xe3: {  	v2 =	vld [tilespmem:s31+$0xFFFFFF90];
	_ =	sdelay $0x4  }
0xe4: {  	v2 =	vand.u32 v1, v2  }
0xe5: {  	[tilespmem:$0x2880] =	vst v2  }
0xe6: {  	v2 =	vld [tilespmem:s31+$0xFFFFFFA0];
	_ =	sdelay $0x4  }
0xe7: {  	v2 =	vand.u32 v1, v2  }
0xe8: {  	[tilespmem:$0x2890] =	vst v2  }
0xe9: {  	v2 =	vld [tilespmem:s31+$0xFFFFFFB0];
	_ =	sdelay $0x4  }
0xea: {  	v2 =	vand.u32 v1, v2  }
0xeb: {  	[tilespmem:$0x28A0] =	vst v2  }
0xec: {  	v2 =	vld [tilespmem:s31+$0xFFFFFFC0];
	_ =	sdelay $0x4  }
0xed: {  	v2 =	vand.u32 v1, v2  }
0xee: {  	[tilespmem:$0x28B0] =	vst v2  }
0xef: {  	v2 =	vld [tilespmem:s31+$0xFFFFFFD0];
	_ =	sdelay $0x4  }
0xf0: {  	v2 =	vand.u32 v1, v2  }
0xf1: {  	[tilespmem:$0x28C0] =	vst v2  }
0xf2: {  	v2 =	vld [tilespmem:s31+$0xFFFFFFE0];
	_ =	sdelay $0x4  }
0xf3: {  	v2 =	vand.u32 v1, v2  }
0xf4: {  	[tilespmem:$0x28D0] =	vst v2  }
0xf5: {  	v2 =	vld [tilespmem:s31+$0xFFFFFFF0];
	_ =	sdelay $0x4  }
0xf6: {  	v2 =	vand.u32 v1, v2  }
0xf7: {  	[tilespmem:$0x28E0] =	vst v2  }
0xf8: {  	v2 =	vld [tilespmem:s31+$0x0];
	_ =	sdelay $0x2  }
.Ltmp4:
0xf9: {  	_ = 	snop;
	(pc) =	sbr.rel .LBB2_4-.Ltmp4, $4  }
0xfa: {  	_ = 	snop  }
0xfb: {  	v2 =	vand.u32 v1, v2  }
0xfc: {  	s30 =	sadd.s32 $0x400, s30;
	[tilespmem:$0x28F0] =	vst v2  }
0xfd: {  	[tilespmem:s24], [sflag:$0x2] =	stream.indirect.gather [hbm4b:s1+s21], $0x80, s23, s21, $0xb8;
	[tilespmem:$0x1EA00] =	vst v63  }
.LBB2_7:
0xfe: {  	_ =	sfence.sel $0x180000  }
0xff: {  	[bflag:$0x0] =	sbarrier.arrive $0xFFFF  }
0x100: {  	_ =	strace $0x90000047  }
0x101: {  	s0 =	stileid.u32;
	[bflag:$0x2] =	sbarrier.arrive $0xFFFF  }
0x102: {  	p0 =	sne.s32 s0, $0x0;
	s0 =	rddreg [dreg:$0x5]  }
0x103: {  	s0 =	sadd.s32 @!p0 $0x100000, s0  }
0x104: {  	[sflag:s0] =	ssyncadd.tile.s32 @!p0 $0x1;
	_ =	shalt  }
.Lfunc_end2:
_tile_overlayer_lowered:
.L_overlay_start_2:
0x105: {  	(tag) =	ssettag $0x2  }
0x106: {  	s0 =	rddreg [dreg:$0x0];
	s2 =	stileid.u32  }
0x107: {  	s1 =	rddreg [dreg:$0x1];
	p0 =	sne.s32 s2, $0x0  }
0x108: {  	s3 =	rddreg [dreg:$0x2];
	[bflag:$0x3] =	sbarrier.arrive $0xFFFF;
	s2 =	simm.s32 @!p0 $0x1C03  }
0x109: {  	[timem:s3], [sflag:s2] =	dma.local @!p0 [hbm:s0], s1  }
0x10a: {  	s0 =	simm.s32 @!p0 $0x3  }
0x10b: {  	_ =	swait.ge @!p0 [sflag:s0], s1  }
0x10c: {  	s1 =	ssub.s32 @!p0 $0x0, s1;
	[sflag:s0] =	ssyncset.done @!p0 $0x0  }
0x10d: {  	[sflag:s0] =	ssyncadd.s32 @!p0 s1  }
0x10e: {  	[bflag:$0x3] =	sbarrier.arrive $0xFFFF  }
0x10f: {  	_ =	shalt  }

</sc_bundles>
